<compile_context>
chip_gen: v7x
topology: tpu7x:2x2x1
jax: 0.10.2.dev20260603
libtpu: 0.0.44.dev20260713+nightly
codegen_flags: <defaults>
</compile_context>

<pallas_src>
import jax
import jax.numpy as jnp
from jax import lax
from jax.experimental import pallas as pl
from jax.experimental.pallas import tpu as pltpu
from jax.experimental.pallas import tpu_sc as plsc

_NC = 2
_NS = 16
_NW = _NC * _NS

_VOCAB = 1000000
_MAXLEN = 200
_EMBED = 32
_BATCH = 4096

_BT = _BATCH // _NW
_MB = 5
_NSTEP = _MAXLEN // _MB


def _body(xf_hbm, tbl_hbm, pos_hbm, out_hbm, idx_v, rows_v, t_v, pos_v,
          gsem, wsem):
    wid = lax.axis_index("s") * _NC + lax.axis_index("c")
    base = wid * (_NSTEP * _MB * _BT)

    pltpu.sync_copy(pos_hbm, pos_v)


    def stage_in(s, buf):
        pltpu.sync_copy(
            xf_hbm.at[pl.ds(base + s * (_MB * _BT), _MB * _BT)],
            idx_v.at[buf])
        pltpu.async_copy(
            tbl_hbm.at[idx_v.at[buf]],
            rows_v.at[pl.ds(buf * (_MB * _BT), _MB * _BT)],
            gsem.at[buf])

    def wait_in(buf):
        pltpu.make_async_copy(
            tbl_hbm.at[idx_v.at[buf]],
            rows_v.at[pl.ds(buf * (_MB * _BT), _MB * _BT)],
            gsem.at[buf]).wait()

    def start_out(s, buf):
        pltpu.async_copy(
            t_v.at[buf, :, :, :, pl.ds(0, _BT)],
            out_hbm.at[pl.ds(s * _MB, _MB), slice(None), wid],
            wsem.at[buf])

    def wait_out(s, buf):
        pltpu.make_async_copy(
            t_v.at[buf, :, :, :, pl.ds(0, _BT)],
            out_hbm.at[pl.ds(s * _MB, _MB), slice(None), wid],
            wsem.at[buf]).wait()

    stage_in(0, 0)

    def step(s, carry):
        p = lax.rem(s, 2)
        q = 1 - p

        @pl.when(s < _NSTEP - 1)
        def _():
            stage_in(s + 1, q)

        wait_in(p)

        @pl.when(s >= 2)
        def _():
            wait_out(s - 2, p)

        pbase = p * (_MB * _BT)
        pfull = jnp.full((16,), p, jnp.int32)
        iota16 = jax.lax.iota(jnp.int32, 16)
        esv = jax.lax.bitwise_and(iota16, 7)
        et_half = jax.lax.shift_right_logical(iota16, 3)

        def scatter_block(mfull, etv, pvh, row0, h):
            @plsc.parallel_loop(0, _BT, unroll=8)
            def _(j):
                val = rows_v[row0 + j, pl.ds(16 * h, 16)]
                plsc.store_scatter(
                    t_v,
                    [pfull, mfull, etv, esv, jnp.full((16,), j, jnp.int32)],
                    val + pvh)

        for m_loc in range(_MB):
            m = s * _MB + m_loc
            mfull = jnp.full((16,), m_loc, jnp.int32)
            pv = [pos_v[m, pl.ds(0, 16)], pos_v[m, pl.ds(16, 16)]]
            for h in range(2):
                scatter_block(mfull, et_half + (2 * h), pv[h],
                              pbase + m_loc * _BT, h)

        start_out(s, p)
        return carry

    lax.fori_loop(0, _NSTEP, step, 0)

    wait_out(_NSTEP - 2, 0)
    wait_out(_NSTEP - 1, 1)


@jax.jit
def _run(xf, tbl, pos_table):
    mesh = plsc.VectorSubcoreMesh(
        core_axis_name="c", subcore_axis_name="s",
        num_cores=_NC, num_subcores=_NS,
    )
    return pl.kernel(
        _body,
        out_type=jax.ShapeDtypeStruct(
            (_MAXLEN, _EMBED // 8, _NW, 8, 128), jnp.float32),
        mesh=mesh,
        scratch_types=[
            pltpu.VMEM((2, _MB * _BT), jnp.int32),
            pltpu.VMEM((2 * _MB * _BT, _EMBED), jnp.float32),
            pltpu.VMEM((2, _MB, _EMBED // 8, 8, _BT + 1), jnp.float32),
            pltpu.VMEM((_MAXLEN, _EMBED), jnp.float32),
            pltpu.SemaphoreType.DMA((2,)),
            pltpu.SemaphoreType.DMA((2,)),
        ],
        compiler_params=pltpu.CompilerParams(
            use_tc_tiling_on_sc=False, needs_layout_passes=False),
    )(xf, tbl, pos_table)


def kernel(x, token_table, pos_table):
    xf = (x.T.astype(jnp.int32)
          .reshape(_NSTEP, _MB, _NW, _BT)
          .transpose(2, 0, 1, 3)
          .reshape(_BATCH * _MAXLEN))
    t4 = lax.optimization_barrier(token_table.reshape(_VOCAB // 4, 4 * _EMBED))
    o5 = _run(xf, t4.reshape(_VOCAB, _EMBED), pos_table)
    return o5.transpose(2, 4, 0, 1, 3).reshape(_BATCH, _MAXLEN, _EMBED)

# --- scband reference (transcript-rebuilt; emitter-appended) ---
"""Pipeline reference for scband-token-and-position-embedding-88373247082657 (READ-ONLY COPY).

The authoritative reference and input builder live on the scoring server;
editing this copy changes nothing except your own understanding.
"""

import jax, jax.numpy as jnp
import numpy as np

VOCAB = 1000000
MAXLEN = 200
EMBED = 32
BATCH = 4096

def setup_inputs(seed: int = 0) -> dict:
    key = jax.random.key(seed)
    k1, k2, k3 = jax.random.split(key, 3)
    x = jax.random.randint(k1, (BATCH, MAXLEN), 0, VOCAB, dtype=jnp.int64 if jax.config.read('jax_enable_x64') else jnp.int32)
    token_table = jax.random.normal(k2, (VOCAB, EMBED), dtype=jnp.float32) * 0.02
    pos_table = jax.random.normal(k3, (MAXLEN, EMBED), dtype=jnp.float32) * 0.02
    return {"x": x, "token_table": token_table, "pos_table": pos_table}

def reference(x, token_table, pos_table):
    # memory_model == 'transformer_no_orthonormal' branch:
    # maxlen taken from x's last dim, token embedding applied, then positional added
    maxlen = x.shape[-1]
    positions = jnp.arange(0, maxlen)
    pos_emb = jnp.take(pos_table, positions, axis=0)  # [maxlen, embed]
    tok_emb = jnp.take(token_table, x, axis=0)        # [B, maxlen, embed]
    return tok_emb + pos_emb

if __name__ == "__main__":
    import jax
    _d = setup_inputs()
    print(jax.jit(kernel)(*tuple(_d.values())))

</pallas_src>

<mosaic_0001>
#map = affine_map<(d0, d1) -> (0)>
#map1 = affine_map<(d0, d1) -> (0, 0)>
#map2 = affine_map<(d0, d1) -> (0, 0, 0, 0, 0)>
module attributes {stable_mosaic.version = 14 : i64} {
  func.func @_body(%arg0: i32, %arg1: i32, %arg2: memref<819200xi32, #tpu.memory_space<hbm>>, %arg3: memref<1000000x32xf32, #tpu.memory_space<hbm>>, %arg4: memref<200x32xf32, #tpu.memory_space<hbm>>, %arg5: memref<200x4x32x8x128xf32, #tpu.memory_space<hbm>>, %arg6: memref<2x640xi32, #tpu.memory_space<vmem>>, %arg7: memref<1280x32xf32, #tpu.memory_space<vmem>>, %arg8: memref<2x5x4x8x129xf32, #tpu.memory_space<vmem>>, %arg9: memref<200x32xf32, #tpu.memory_space<vmem>>, %arg10: memref<2x!tpu.dma_semaphore, #tpu.memory_space<semaphore_mem>>, %arg11: memref<2x!tpu.dma_semaphore, #tpu.memory_space<semaphore_mem>>) attributes {dimension_semantics = [#tpu.dimension_semantics<core_parallel>, #tpu.dimension_semantics<subcore_parallel>], iteration_bounds = array<i64: 2, 16>, scalar_prefetch = 0 : i64, scratch_operands = 6 : i64, tpu.core_type = #tpu.core_type<sc_vector_subcore>, window_params = [{transform_indices = #map}, {transform_indices = #map1}, {transform_indices = #map1}, {transform_indices = #map2}]} {
    %mul3A = arith.constant 2 : i32
    %mul3A_0 = arith.muli %arg1, %mul3A : i32
    %add3A = arith.addi %mul3A_0, %arg0 : i32
    %mul3A_1 = arith.constant 25600 : i32
    %mul3A_2 = arith.muli %add3A, %mul3A_1 : i32
    "tpu.region"() ({
      %run_scoped3A_77 = tpu.sem_alloc : memref<!tpu.dma_semaphore, #tpu.memory_space<semaphore_mem>>
      tpu.enqueue_dma source(%arg4 : memref<200x32xf32, #tpu.memory_space<hbm>>) target(%arg9 : memref<200x32xf32, #tpu.memory_space<vmem>>) target_semaphore(%run_scoped3A_77 : memref<!tpu.dma_semaphore, #tpu.memory_space<semaphore_mem>>)
      tpu.wait_dma2 semaphore(%run_scoped3A_77 : memref<!tpu.dma_semaphore, #tpu.memory_space<semaphore_mem>>) src(%arg4 : memref<200x32xf32, #tpu.memory_space<hbm>>) dst(%arg9 : memref<200x32xf32, #tpu.memory_space<vmem>>)
      tpu.yield
    }) : () -> ()
    %add3A_3 = arith.constant 0 : i32
    %add3A_4 = arith.addi %mul3A_2, %add3A_3 : i32
    %run_scoped3A = arith.constant 0 : i32
    "tpu.region"() ({
      %run_scoped3A_77 = tpu.sem_alloc : memref<!tpu.dma_semaphore, #tpu.memory_space<semaphore_mem>>
      %dma_start3A_78 = arith.constant 0 : i32
      %dma_start3A_79 = tpu.memref_slice %arg6[%run_scoped3A, %dma_start3A_78] : memref<2x640xi32, #tpu.memory_space<vmem>> -> memref<1x640xi32, #tpu.memory_space<vmem>>
      %dma_start3A_80 = tpu.memref_squeeze %dma_start3A_79 : memref<1x640xi32, #tpu.memory_space<vmem>> -> memref<640xi32, #tpu.memory_space<vmem>>
      %dma_start3A_81 = tpu.memref_slice %arg2[%add3A_4] : memref<819200xi32, #tpu.memory_space<hbm>> -> memref<640xi32, #tpu.memory_space<hbm>>
      %dma_start3A_82 = arith.constant 0 : i32
      %dma_start3A_83 = tpu.memref_slice %arg6[%run_scoped3A, %dma_start3A_82] : memref<2x640xi32, #tpu.memory_space<vmem>> -> memref<1x640xi32, #tpu.memory_space<vmem>>
      %dma_start3A_84 = tpu.memref_squeeze %dma_start3A_83 : memref<1x640xi32, #tpu.memory_space<vmem>> -> memref<640xi32, #tpu.memory_space<vmem>>
      %dma_start3A_85 = tpu.memref_slice %arg2[%add3A_4] : memref<819200xi32, #tpu.memory_space<hbm>> -> memref<640xi32, #tpu.memory_space<hbm>>
      tpu.enqueue_dma source(%dma_start3A_85 : memref<640xi32, #tpu.memory_space<hbm>>) target(%dma_start3A_84 : memref<640xi32, #tpu.memory_space<vmem>>) target_semaphore(%run_scoped3A_77 : memref<!tpu.dma_semaphore, #tpu.memory_space<semaphore_mem>>)
      %dma_wait3A_86 = arith.constant 0 : i32
      %dma_wait3A_87 = tpu.memref_slice %arg6[%run_scoped3A, %dma_wait3A_86] : memref<2x640xi32, #tpu.memory_space<vmem>> -> memref<1x640xi32, #tpu.memory_space<vmem>>
      %dma_wait3A_88 = tpu.memref_squeeze %dma_wait3A_87 : memref<1x640xi32, #tpu.memory_space<vmem>> -> memref<640xi32, #tpu.memory_space<vmem>>
      %dma_wait3A_89 = tpu.memref_slice %arg2[%add3A_4] : memref<819200xi32, #tpu.memory_space<hbm>> -> memref<640xi32, #tpu.memory_space<hbm>>
      %dma_wait3A_90 = arith.constant 0 : i32
      %dma_wait3A_91 = tpu.memref_slice %arg6[%run_scoped3A, %dma_wait3A_90] : memref<2x640xi32, #tpu.memory_space<vmem>> -> memref<1x640xi32, #tpu.memory_space<vmem>>
      %dma_wait3A_92 = tpu.memref_squeeze %dma_wait3A_91 : memref<1x640xi32, #tpu.memory_space<vmem>> -> memref<640xi32, #tpu.memory_space<vmem>>
      %dma_wait3A_93 = tpu.memref_slice %arg2[%add3A_4] : memref<819200xi32, #tpu.memory_space<hbm>> -> memref<640xi32, #tpu.memory_space<hbm>>
      tpu.wait_dma2 semaphore(%run_scoped3A_77 : memref<!tpu.dma_semaphore, #tpu.memory_space<semaphore_mem>>) src(%dma_wait3A_93 : memref<640xi32, #tpu.memory_space<hbm>>) dst(%dma_wait3A_92 : memref<640xi32, #tpu.memory_space<vmem>>)
      tpu.yield
    }) : () -> ()
    %dma_start3A = arith.constant 0 : i32
    %dma_start3A_5 = arith.constant 0 : i32
    %dma_start3A_6 = arith.constant 0 : i32
    %dma_start3A_7 = arith.constant 0 : i32
    %dma_start3A_8 = tpu.memref_slice %arg7[%dma_start3A_6, %dma_start3A_7] : memref<1280x32xf32, #tpu.memory_space<vmem>> -> memref<640x32xf32, #tpu.memory_space<vmem>>
    %dma_start3A_9 = arith.constant 0 : i32
    %dma_start3A_10 = tpu.memref_slice %arg6[%dma_start3A, %dma_start3A_9] : memref<2x640xi32, #tpu.memory_space<vmem>> -> memref<1x640xi32, #tpu.memory_space<vmem>>
    %dma_start3A_11 = tpu.memref_squeeze %dma_start3A_10 : memref<1x640xi32, #tpu.memory_space<vmem>> -> memref<640xi32, #tpu.memory_space<vmem>>
    %dma_start3A_12 = arith.constant 0 : i32
    %dma_start3A_13 = arith.constant 0 : i32
    %dma_start3A_14 = tpu.memref_slice %arg3[%dma_start3A_12, %dma_start3A_13] : memref<1000000x32xf32, #tpu.memory_space<hbm>> -> memref<1000000x32xf32, #tpu.memory_space<hbm>>
    %dma_start3A_15 = tpu.memref_slice %arg10[%dma_start3A_5] : memref<2x!tpu.dma_semaphore, #tpu.memory_space<semaphore_mem>> -> memref<1x!tpu.dma_semaphore, #tpu.memory_space<semaphore_mem>>
    %dma_start3A_16 = tpu.memref_squeeze %dma_start3A_15 : memref<1x!tpu.dma_semaphore, #tpu.memory_space<semaphore_mem>> -> memref<!tpu.dma_semaphore, #tpu.memory_space<semaphore_mem>>
    tpu.enqueue_indirect_dma source(%dma_start3A_14 : memref<1000000x32xf32, #tpu.memory_space<hbm>>) target(%dma_start3A_8 : memref<640x32xf32, #tpu.memory_space<vmem>>) offsets(%dma_start3A_11 : memref<640xi32, #tpu.memory_space<vmem>>) semaphore(%dma_start3A_16 : memref<!tpu.dma_semaphore, #tpu.memory_space<semaphore_mem>>)
    %scan3A = arith.constant 0 : i32
    %scan3A_17 = arith.constant 0 : i32
    %scan3A_18 = arith.constant 40 : i32
    %scan3A_19 = arith.addi %scan3A_17, %scan3A_18 : i32
    %scan3A_20 = arith.constant 1 : i32
    scf.for %scan3A_77 = %scan3A_17 to %scan3A_19 step %scan3A_20  : i32 {
      %rem3A = arith.constant 2 : i32
      %rem3A_78 = arith.remsi %scan3A_77, %rem3A : i32
      %sub3A = arith.constant 1 : i32
      %sub3A_79 = arith.subi %sub3A, %rem3A_78 : i32
      %lt3A = arith.constant 39 : i32
      %lt3A_80 = arith.cmpi slt, %scan3A_77, %lt3A : i32
      %convert_element_type3A = arith.extui %lt3A_80 : i1 to i32
      %cond3A = arith.constant 0 : i32
      %cond3A_81 = arith.cmpi ne, %convert_element_type3A, %cond3A : i32
      scf.if %cond3A_81 {
        %add3A_268 = arith.constant 1 : i32
        %add3A_269 = arith.addi %scan3A_77, %add3A_268 : i32
        %mul3A_270 = arith.constant 640 : i32
        %mul3A_271 = arith.muli %add3A_269, %mul3A_270 : i32
        %add3A_272 = arith.addi %mul3A_2, %mul3A_271 : i32
        "tpu.region"() ({
          %run_scoped3A_285 = tpu.sem_alloc : memref<!tpu.dma_semaphore, #tpu.memory_space<semaphore_mem>>
          %dma_start3A_286 = arith.constant 0 : i32
          %dma_start3A_287 = tpu.memref_slice %arg6[%sub3A_79, %dma_start3A_286] : memref<2x640xi32, #tpu.memory_space<vmem>> -> memref<1x640xi32, #tpu.memory_space<vmem>>
          %dma_start3A_288 = tpu.memref_squeeze %dma_start3A_287 : memref<1x640xi32, #tpu.memory_space<vmem>> -> memref<640xi32, #tpu.memory_space<vmem>>
          %dma_start3A_289 = tpu.memref_slice %arg2[%add3A_272] : memref<819200xi32, #tpu.memory_space<hbm>> -> memref<640xi32, #tpu.memory_space<hbm>>
          %dma_start3A_290 = arith.constant 0 : i32
          %dma_start3A_291 = tpu.memref_slice %arg6[%sub3A_79, %dma_start3A_290] : memref<2x640xi32, #tpu.memory_space<vmem>> -> memref<1x640xi32, #tpu.memory_space<vmem>>
          %dma_start3A_292 = tpu.memref_squeeze %dma_start3A_291 : memref<1x640xi32, #tpu.memory_space<vmem>> -> memref<640xi32, #tpu.memory_space<vmem>>
          %dma_start3A_293 = tpu.memref_slice %arg2[%add3A_272] : memref<819200xi32, #tpu.memory_space<hbm>> -> memref<640xi32, #tpu.memory_space<hbm>>
          tpu.enqueue_dma source(%dma_start3A_293 : memref<640xi32, #tpu.memory_space<hbm>>) target(%dma_start3A_292 : memref<640xi32, #tpu.memory_space<vmem>>) target_semaphore(%run_scoped3A_285 : memref<!tpu.dma_semaphore, #tpu.memory_space<semaphore_mem>>)
          %dma_wait3A_294 = arith.constant 0 : i32
          %dma_wait3A_295 = tpu.memref_slice %arg6[%sub3A_79, %dma_wait3A_294] : memref<2x640xi32, #tpu.memory_space<vmem>> -> memref<1x640xi32, #tpu.memory_space<vmem>>
          %dma_wait3A_296 = tpu.memref_squeeze %dma_wait3A_295 : memref<1x640xi32, #tpu.memory_space<vmem>> -> memref<640xi32, #tpu.memory_space<vmem>>
          %dma_wait3A_297 = tpu.memref_slice %arg2[%add3A_272] : memref<819200xi32, #tpu.memory_space<hbm>> -> memref<640xi32, #tpu.memory_space<hbm>>
          %dma_wait3A_298 = arith.constant 0 : i32
          %dma_wait3A_299 = tpu.memref_slice %arg6[%sub3A_79, %dma_wait3A_298] : memref<2x640xi32, #tpu.memory_space<vmem>> -> memref<1x640xi32, #tpu.memory_space<vmem>>
          %dma_wait3A_300 = tpu.memref_squeeze %dma_wait3A_299 : memref<1x640xi32, #tpu.memory_space<vmem>> -> memref<640xi32, #tpu.memory_space<vmem>>
          %dma_wait3A_301 = tpu.memref_slice %arg2[%add3A_272] : memref<819200xi32, #tpu.memory_space<hbm>> -> memref<640xi32, #tpu.memory_space<hbm>>
          tpu.wait_dma2 semaphore(%run_scoped3A_285 : memref<!tpu.dma_semaphore, #tpu.memory_space<semaphore_mem>>) src(%dma_wait3A_301 : memref<640xi32, #tpu.memory_space<hbm>>) dst(%dma_wait3A_300 : memref<640xi32, #tpu.memory_space<vmem>>)
          tpu.yield
        }) : () -> ()
        %mul3A_273 = arith.constant 640 : i32
        %mul3A_274 = arith.muli %sub3A_79, %mul3A_273 : i32
        %dma_start3A_275 = arith.constant 0 : i32
        %dma_start3A_276 = tpu.memref_slice %arg7[%mul3A_274, %dma_start3A_275] : memref<1280x32xf32, #tpu.memory_space<vmem>> -> memref<640x32xf32, #tpu.memory_space<vmem>>
        %dma_start3A_277 = arith.constant 0 : i32
        %dma_start3A_278 = tpu.memref_slice %arg6[%sub3A_79, %dma_start3A_277] : memref<2x640xi32, #tpu.memory_space<vmem>> -> memref<1x640xi32, #tpu.memory_space<vmem>>
        %dma_start3A_279 = tpu.memref_squeeze %dma_start3A_278 : memref<1x640xi32, #tpu.memory_space<vmem>> -> memref<640xi32, #tpu.memory_space<vmem>>
        %dma_start3A_280 = arith.constant 0 : i32
        %dma_start3A_281 = arith.constant 0 : i32
        %dma_start3A_282 = tpu.memref_slice %arg3[%dma_start3A_280, %dma_start3A_281] : memref<1000000x32xf32, #tpu.memory_space<hbm>> -> memref<1000000x32xf32, #tpu.memory_space<hbm>>
        %dma_start3A_283 = tpu.memref_slice %arg10[%sub3A_79] : memref<2x!tpu.dma_semaphore, #tpu.memory_space<semaphore_mem>> -> memref<1x!tpu.dma_semaphore, #tpu.memory_space<semaphore_mem>>
        %dma_start3A_284 = tpu.memref_squeeze %dma_start3A_283 : memref<1x!tpu.dma_semaphore, #tpu.memory_space<semaphore_mem>> -> memref<!tpu.dma_semaphore, #tpu.memory_space<semaphore_mem>>
        tpu.enqueue_indirect_dma source(%dma_start3A_282 : memref<1000000x32xf32, #tpu.memory_space<hbm>>) target(%dma_start3A_276 : memref<640x32xf32, #tpu.memory_space<vmem>>) offsets(%dma_start3A_279 : memref<640xi32, #tpu.memory_space<vmem>>) semaphore(%dma_start3A_284 : memref<!tpu.dma_semaphore, #tpu.memory_space<semaphore_mem>>)
      } else {
      }
      %mul3A_82 = arith.constant 640 : i32
      %mul3A_83 = arith.muli %rem3A_78, %mul3A_82 : i32
      %dma_wait3A_84 = arith.constant 0 : i32
      %dma_wait3A_85 = tpu.memref_slice %arg7[%mul3A_83, %dma_wait3A_84] : memref<1280x32xf32, #tpu.memory_space<vmem>> -> memref<640x32xf32, #tpu.memory_space<vmem>>
      %dma_wait3A_86 = arith.constant 0 : i32
      %dma_wait3A_87 = tpu.memref_slice %arg6[%rem3A_78, %dma_wait3A_86] : memref<2x640xi32, #tpu.memory_space<vmem>> -> memref<1x640xi32, #tpu.memory_space<vmem>>
      %dma_wait3A_88 = tpu.memref_squeeze %dma_wait3A_87 : memref<1x640xi32, #tpu.memory_space<vmem>> -> memref<640xi32, #tpu.memory_space<vmem>>
      %dma_wait3A_89 = arith.constant 0 : i32
      %dma_wait3A_90 = arith.constant 0 : i32
      %dma_wait3A_91 = tpu.memref_slice %arg3[%dma_wait3A_89, %dma_wait3A_90] : memref<1000000x32xf32, #tpu.memory_space<hbm>> -> memref<1000000x32xf32, #tpu.memory_space<hbm>>
      %dma_wait3A_92 = tpu.memref_slice %arg10[%rem3A_78] : memref<2x!tpu.dma_semaphore, #tpu.memory_space<semaphore_mem>> -> memref<1x!tpu.dma_semaphore, #tpu.memory_space<semaphore_mem>>
      %dma_wait3A_93 = tpu.memref_squeeze %dma_wait3A_92 : memref<1x!tpu.dma_semaphore, #tpu.memory_space<semaphore_mem>> -> memref<!tpu.dma_semaphore, #tpu.memory_space<semaphore_mem>>
      tpu.wait_indirect_dma semaphore(%dma_wait3A_93 : memref<!tpu.dma_semaphore, #tpu.memory_space<semaphore_mem>>) src(%dma_wait3A_91 : memref<1000000x32xf32, #tpu.memory_space<hbm>>) dst(%dma_wait3A_85 : memref<640x32xf32, #tpu.memory_space<vmem>>)
      %ge3A = arith.constant 2 : i32
      %ge3A_94 = arith.cmpi sge, %scan3A_77, %ge3A : i32
      %convert_element_type3A_95 = arith.extui %ge3A_94 : i1 to i32
      %cond3A_96 = arith.constant 0 : i32
      %cond3A_97 = arith.cmpi ne, %convert_element_type3A_95, %cond3A_96 : i32
      scf.if %cond3A_97 {
        %sub3A_268 = arith.constant 2 : i32
        %sub3A_269 = arith.subi %scan3A_77, %sub3A_268 : i32
        %mul3A_270 = arith.constant 5 : i32
        %mul3A_271 = arith.muli %sub3A_269, %mul3A_270 : i32
        %dma_wait3A_272 = arith.constant 0 : i32
        %dma_wait3A_273 = arith.constant 0 : i32
        %dma_wait3A_274 = arith.constant 0 : i32
        %dma_wait3A_275 = arith.constant 0 : i32
        %dma_wait3A_276 = tpu.memref_slice %arg8[%rem3A_78, %dma_wait3A_272, %dma_wait3A_273, %dma_wait3A_274, %dma_wait3A_275] : memref<2x5x4x8x129xf32, #tpu.memory_space<vmem>> -> memref<1x5x4x8x128xf32, #tpu.memory_space<vmem>>
        %dma_wait3A_277 = tpu.memref_squeeze %dma_wait3A_276 : memref<1x5x4x8x128xf32, #tpu.memory_space<vmem>> -> memref<5x4x8x128xf32, #tpu.memory_space<vmem>>
        %dma_wait3A_278 = arith.constant 0 : i32
        %dma_wait3A_279 = arith.constant 0 : i32
        %dma_wait3A_280 = arith.constant 0 : i32
        %dma_wait3A_281 = tpu.memref_slice %arg5[%mul3A_271, %dma_wait3A_278, %add3A, %dma_wait3A_279, %dma_wait3A_280] : memref<200x4x32x8x128xf32, #tpu.memory_space<hbm>> -> memref<5x4x1x8x128xf32, #tpu.memory_space<hbm>>
        %dma_wait3A_282 = tpu.memref_squeeze %dma_wait3A_281 : memref<5x4x1x8x128xf32, #tpu.memory_space<hbm>> -> memref<5x4x8x128xf32, #tpu.memory_space<hbm>>
        %dma_wait3A_283 = tpu.memref_slice %arg11[%rem3A_78] : memref<2x!tpu.dma_semaphore, #tpu.memory_space<semaphore_mem>> -> memref<1x!tpu.dma_semaphore, #tpu.memory_space<semaphore_mem>>
        %dma_wait3A_284 = tpu.memref_squeeze %dma_wait3A_283 : memref<1x!tpu.dma_semaphore, #tpu.memory_space<semaphore_mem>> -> memref<!tpu.dma_semaphore, #tpu.memory_space<semaphore_mem>>
        %dma_wait3A_285 = arith.constant 0 : i32
        %dma_wait3A_286 = arith.constant 0 : i32
        %dma_wait3A_287 = arith.constant 0 : i32
        %dma_wait3A_288 = tpu.memref_slice %arg5[%mul3A_271, %dma_wait3A_285, %add3A, %dma_wait3A_286, %dma_wait3A_287] : memref<200x4x32x8x128xf32, #tpu.memory_space<hbm>> -> memref<5x4x1x8x128xf32, #tpu.memory_space<hbm>>
        %dma_wait3A_289 = tpu.memref_squeeze %dma_wait3A_288 : memref<5x4x1x8x128xf32, #tpu.memory_space<hbm>> -> memref<5x4x8x128xf32, #tpu.memory_space<hbm>>
        %dma_wait3A_290 = arith.constant 0 : i32
        %dma_wait3A_291 = arith.constant 0 : i32
        %dma_wait3A_292 = arith.constant 0 : i32
        %dma_wait3A_293 = arith.constant 0 : i32
        %dma_wait3A_294 = tpu.memref_slice %arg8[%rem3A_78, %dma_wait3A_290, %dma_wait3A_291, %dma_wait3A_292, %dma_wait3A_293] : memref<2x5x4x8x129xf32, #tpu.memory_space<vmem>> -> memref<1x5x4x8x128xf32, #tpu.memory_space<vmem>>
        %dma_wait3A_295 = tpu.memref_squeeze %dma_wait3A_294 : memref<1x5x4x8x128xf32, #tpu.memory_space<vmem>> -> memref<5x4x8x128xf32, #tpu.memory_space<vmem>>
        tpu.wait_dma2 semaphore(%dma_wait3A_284 : memref<!tpu.dma_semaphore, #tpu.memory_space<semaphore_mem>>) src(%dma_wait3A_295 : memref<5x4x8x128xf32, #tpu.memory_space<vmem>>) dst(%dma_wait3A_289 : memref<5x4x8x128xf32, #tpu.memory_space<hbm>>)
      } else {
      }
      %mul3A_98 = arith.constant 640 : i32
      %mul3A_99 = arith.muli %rem3A_78, %mul3A_98 : i32
      %broadcast_in_dim3A = vector.broadcast %rem3A_78 : i32 to vector<16xi32>
      %iota3A = tpu.iota {dimensions = array<i32: 0>} : vector<16xi32>
      %and3A = arith.constant 7 : i32
      %and3A_100 = vector.broadcast %and3A : i32 to vector<16xi32>
      %and3A_101 = arith.andi %iota3A, %and3A_100 : vector<16xi32>
      %shift_right_logical3A = arith.constant 3 : i32
      %shift_right_logical3A_102 = vector.broadcast %shift_right_logical3A : i32 to vector<16xi32>
      %shift_right_logical3A_103 = arith.shrui %iota3A, %shift_right_logical3A_102 : vector<16xi32>
      %mul3A_104 = arith.constant 5 : i32
      %mul3A_105 = arith.muli %scan3A_77, %mul3A_104 : i32
      %add3A_106 = arith.constant 0 : i32
      %add3A_107 = arith.addi %mul3A_105, %add3A_106 : i32
      %broadcast_in_dim3A_108 = arith.constant 0 : i32
      %broadcast_in_dim3A_109 = vector.broadcast %broadcast_in_dim3A_108 : i32 to vector<16xi32>
      %get3A = arith.index_cast %add3A_107 : i32 to index
      %get3A_110 = arith.constant 0 : index
      %get3A_111 = tpu.vector_load %arg9[%get3A, %get3A_110] {strides = array<i32>} : memref<200x32xf32, #tpu.memory_space<vmem>>, vector<16xf32>,
      %get3A_112 = arith.index_cast %add3A_107 : i32 to index
      %get3A_113 = arith.constant 16 : index
      %get3A_114 = tpu.vector_load %arg9[%get3A_112, %get3A_113] {strides = array<i32>} : memref<200x32xf32, #tpu.memory_space<vmem>>, vector<16xf32>,
      %add3A_115 = arith.constant 0 : i32
      %add3A_116 = vector.broadcast %add3A_115 : i32 to vector<16xi32>
      %add3A_117 = arith.addi %shift_right_logical3A_103, %add3A_116 : vector<16xi32>
      %add3A_118 = arith.constant 0 : i32
      %add3A_119 = arith.addi %mul3A_99, %add3A_118 : i32
      %parallel_loop3A = arith.constant 0 : i32
      %parallel_loop3A_120 = arith.constant 128 : i32
      %parallel_loop3A_121 = arith.constant 1 : i32
      scf.for %parallel_loop3A_268 = %parallel_loop3A to %parallel_loop3A_120 step %parallel_loop3A_121  : i32 {
        %parallel_loop3A_269 = arith.addi %add3A_119, %parallel_loop3A_268 : i32
        %parallel_loop3A_270 = arith.index_cast %parallel_loop3A_269 : i32 to index
        %parallel_loop3A_271 = arith.constant 0 : index
        %parallel_loop3A_272 = tpu.vector_load %arg7[%parallel_loop3A_270, %parallel_loop3A_271] {strides = array<i32>} : memref<1280x32xf32, #tpu.memory_space<vmem>>, vector<16xf32>,
        %parallel_loop3A_273 = vector.broadcast %parallel_loop3A_268 : i32 to vector<16xi32>
        %parallel_loop3A_274 = arith.addf %parallel_loop3A_272, %get3A_111 : vector<16xf32>
        tpu.vector_store_idx %arg8[%broadcast_in_dim3A, %broadcast_in_dim3A_109, %add3A_117, %and3A_101, %parallel_loop3A_273], %parallel_loop3A_274 : memref<2x5x4x8x129xf32, #tpu.memory_space<vmem>>[vector<16xi32>, vector<16xi32>, vector<16xi32>, vector<16xi32>, vector<16xi32>], vector<16xf32>,
      } {sc.loop_unroll_factor = 8 : i64, sc.parallel_access}
      %add3A_122 = arith.constant 2 : i32
      %add3A_123 = vector.broadcast %add3A_122 : i32 to vector<16xi32>
      %add3A_124 = arith.addi %shift_right_logical3A_103, %add3A_123 : vector<16xi32>
      %add3A_125 = arith.constant 0 : i32
      %add3A_126 = arith.addi %mul3A_99, %add3A_125 : i32
      %parallel_loop3A_127 = arith.constant 0 : i32
      %parallel_loop3A_128 = arith.constant 128 : i32
      %parallel_loop3A_129 = arith.constant 1 : i32
      scf.for %parallel_loop3A_268 = %parallel_loop3A_127 to %parallel_loop3A_128 step %parallel_loop3A_129  : i32 {
        %parallel_loop3A_269 = arith.addi %add3A_126, %parallel_loop3A_268 : i32
        %parallel_loop3A_270 = arith.index_cast %parallel_loop3A_269 : i32 to index
        %parallel_loop3A_271 = arith.constant 16 : index
        %parallel_loop3A_272 = tpu.vector_load %arg7[%parallel_loop3A_270, %parallel_loop3A_271] {strides = array<i32>} : memref<1280x32xf32, #tpu.memory_space<vmem>>, vector<16xf32>,
        %parallel_loop3A_273 = vector.broadcast %parallel_loop3A_268 : i32 to vector<16xi32>
        %parallel_loop3A_274 = arith.addf %parallel_loop3A_272, %get3A_114 : vector<16xf32>
        tpu.vector_store_idx %arg8[%broadcast_in_dim3A, %broadcast_in_dim3A_109, %add3A_124, %and3A_101, %parallel_loop3A_273], %parallel_loop3A_274 : memref<2x5x4x8x129xf32, #tpu.memory_space<vmem>>[vector<16xi32>, vector<16xi32>, vector<16xi32>, vector<16xi32>, vector<16xi32>], vector<16xf32>,
      } {sc.loop_unroll_factor = 8 : i64, sc.parallel_access}
      %mul3A_130 = arith.constant 5 : i32
      %mul3A_131 = arith.muli %scan3A_77, %mul3A_130 : i32
      %add3A_132 = arith.constant 1 : i32
      %add3A_133 = arith.addi %mul3A_131, %add3A_132 : i32
      %broadcast_in_dim3A_134 = arith.constant 1 : i32
      %broadcast_in_dim3A_135 = vector.broadcast %broadcast_in_dim3A_134 : i32 to vector<16xi32>
      %get3A_136 = arith.index_cast %add3A_133 : i32 to index
      %get3A_137 = arith.constant 0 : index
      %get3A_138 = tpu.vector_load %arg9[%get3A_136, %get3A_137] {strides = array<i32>} : memref<200x32xf32, #tpu.memory_space<vmem>>, vector<16xf32>,
      %get3A_139 = arith.index_cast %add3A_133 : i32 to index
      %get3A_140 = arith.constant 16 : index
      %get3A_141 = tpu.vector_load %arg9[%get3A_139, %get3A_140] {strides = array<i32>} : memref<200x32xf32, #tpu.memory_space<vmem>>, vector<16xf32>,
      %add3A_142 = arith.constant 0 : i32
      %add3A_143 = vector.broadcast %add3A_142 : i32 to vector<16xi32>
      %add3A_144 = arith.addi %shift_right_logical3A_103, %add3A_143 : vector<16xi32>
      %add3A_145 = arith.constant 128 : i32
      %add3A_146 = arith.addi %mul3A_99, %add3A_145 : i32
      %parallel_loop3A_147 = arith.constant 0 : i32
      %parallel_loop3A_148 = arith.constant 128 : i32
      %parallel_loop3A_149 = arith.constant 1 : i32
      scf.for %parallel_loop3A_268 = %parallel_loop3A_147 to %parallel_loop3A_148 step %parallel_loop3A_149  : i32 {
        %parallel_loop3A_269 = arith.addi %add3A_146, %parallel_loop3A_268 : i32
        %parallel_loop3A_270 = arith.index_cast %parallel_loop3A_269 : i32 to index
        %parallel_loop3A_271 = arith.constant 0 : index
        %parallel_loop3A_272 = tpu.vector_load %arg7[%parallel_loop3A_270, %parallel_loop3A_271] {strides = array<i32>} : memref<1280x32xf32, #tpu.memory_space<vmem>>, vector<16xf32>,
        %parallel_loop3A_273 = vector.broadcast %parallel_loop3A_268 : i32 to vector<16xi32>
        %parallel_loop3A_274 = arith.addf %parallel_loop3A_272, %get3A_138 : vector<16xf32>
        tpu.vector_store_idx %arg8[%broadcast_in_dim3A, %broadcast_in_dim3A_135, %add3A_144, %and3A_101, %parallel_loop3A_273], %parallel_loop3A_274 : memref<2x5x4x8x129xf32, #tpu.memory_space<vmem>>[vector<16xi32>, vector<16xi32>, vector<16xi32>, vector<16xi32>, vector<16xi32>], vector<16xf32>,
      } {sc.loop_unroll_factor = 8 : i64, sc.parallel_access}
      %add3A_150 = arith.constant 2 : i32
      %add3A_151 = vector.broadcast %add3A_150 : i32 to vector<16xi32>
      %add3A_152 = arith.addi %shift_right_logical3A_103, %add3A_151 : vector<16xi32>
      %add3A_153 = arith.constant 128 : i32
      %add3A_154 = arith.addi %mul3A_99, %add3A_153 : i32
      %parallel_loop3A_155 = arith.constant 0 : i32
      %parallel_loop3A_156 = arith.constant 128 : i32
      %parallel_loop3A_157 = arith.constant 1 : i32
      scf.for %parallel_loop3A_268 = %parallel_loop3A_155 to %parallel_loop3A_156 step %parallel_loop3A_157  : i32 {
        %parallel_loop3A_269 = arith.addi %add3A_154, %parallel_loop3A_268 : i32
        %parallel_loop3A_270 = arith.index_cast %parallel_loop3A_269 : i32 to index
        %parallel_loop3A_271 = arith.constant 16 : index
        %parallel_loop3A_272 = tpu.vector_load %arg7[%parallel_loop3A_270, %parallel_loop3A_271] {strides = array<i32>} : memref<1280x32xf32, #tpu.memory_space<vmem>>, vector<16xf32>,
        %parallel_loop3A_273 = vector.broadcast %parallel_loop3A_268 : i32 to vector<16xi32>
        %parallel_loop3A_274 = arith.addf %parallel_loop3A_272, %get3A_141 : vector<16xf32>
        tpu.vector_store_idx %arg8[%broadcast_in_dim3A, %broadcast_in_dim3A_135, %add3A_152, %and3A_101, %parallel_loop3A_273], %parallel_loop3A_274 : memref<2x5x4x8x129xf32, #tpu.memory_space<vmem>>[vector<16xi32>, vector<16xi32>, vector<16xi32>, vector<16xi32>, vector<16xi32>], vector<16xf32>,
      } {sc.loop_unroll_factor = 8 : i64, sc.parallel_access}
      %mul3A_158 = arith.constant 5 : i32
      %mul3A_159 = arith.muli %scan3A_77, %mul3A_158 : i32
      %add3A_160 = arith.constant 2 : i32
      %add3A_161 = arith.addi %mul3A_159, %add3A_160 : i32
      %broadcast_in_dim3A_162 = arith.constant 2 : i32
      %broadcast_in_dim3A_163 = vector.broadcast %broadcast_in_dim3A_162 : i32 to vector<16xi32>
      %get3A_164 = arith.index_cast %add3A_161 : i32 to index
      %get3A_165 = arith.constant 0 : index
      %get3A_166 = tpu.vector_load %arg9[%get3A_164, %get3A_165] {strides = array<i32>} : memref<200x32xf32, #tpu.memory_space<vmem>>, vector<16xf32>,
      %get3A_167 = arith.index_cast %add3A_161 : i32 to index
      %get3A_168 = arith.constant 16 : index
      %get3A_169 = tpu.vector_load %arg9[%get3A_167, %get3A_168] {strides = array<i32>} : memref<200x32xf32, #tpu.memory_space<vmem>>, vector<16xf32>,
      %add3A_170 = arith.constant 0 : i32
      %add3A_171 = vector.broadcast %add3A_170 : i32 to vector<16xi32>
      %add3A_172 = arith.addi %shift_right_logical3A_103, %add3A_171 : vector<16xi32>
      %add3A_173 = arith.constant 256 : i32
      %add3A_174 = arith.addi %mul3A_99, %add3A_173 : i32
      %parallel_loop3A_175 = arith.constant 0 : i32
      %parallel_loop3A_176 = arith.constant 128 : i32
      %parallel_loop3A_177 = arith.constant 1 : i32
      scf.for %parallel_loop3A_268 = %parallel_loop3A_175 to %parallel_loop3A_176 step %parallel_loop3A_177  : i32 {
        %parallel_loop3A_269 = arith.addi %add3A_174, %parallel_loop3A_268 : i32
        %parallel_loop3A_270 = arith.index_cast %parallel_loop3A_269 : i32 to index
        %parallel_loop3A_271 = arith.constant 0 : index
        %parallel_loop3A_272 = tpu.vector_load %arg7[%parallel_loop3A_270, %parallel_loop3A_271] {strides = array<i32>} : memref<1280x32xf32, #tpu.memory_space<vmem>>, vector<16xf32>,
        %parallel_loop3A_273 = vector.broadcast %parallel_loop3A_268 : i32 to vector<16xi32>
        %parallel_loop3A_274 = arith.addf %parallel_loop3A_272, %get3A_166 : vector<16xf32>
        tpu.vector_store_idx %arg8[%broadcast_in_dim3A, %broadcast_in_dim3A_163, %add3A_172, %and3A_101, %parallel_loop3A_273], %parallel_loop3A_274 : memref<2x5x4x8x129xf32, #tpu.memory_space<vmem>>[vector<16xi32>, vector<16xi32>, vector<16xi32>, vector<16xi32>, vector<16xi32>], vector<16xf32>,
      } {sc.loop_unroll_factor = 8 : i64, sc.parallel_access}
      %add3A_178 = arith.constant 2 : i32
      %add3A_179 = vector.broadcast %add3A_178 : i32 to vector<16xi32>
      %add3A_180 = arith.addi %shift_right_logical3A_103, %add3A_179 : vector<16xi32>
      %add3A_181 = arith.constant 256 : i32
      %add3A_182 = arith.addi %mul3A_99, %add3A_181 : i32
      %parallel_loop3A_183 = arith.constant 0 : i32
      %parallel_loop3A_184 = arith.constant 128 : i32
      %parallel_loop3A_185 = arith.constant 1 : i32
      scf.for %parallel_loop3A_268 = %parallel_loop3A_183 to %parallel_loop3A_184 step %parallel_loop3A_185  : i32 {
        %parallel_loop3A_269 = arith.addi %add3A_182, %parallel_loop3A_268 : i32
        %parallel_loop3A_270 = arith.index_cast %parallel_loop3A_269 : i32 to index
        %parallel_loop3A_271 = arith.constant 16 : index
        %parallel_loop3A_272 = tpu.vector_load %arg7[%parallel_loop3A_270, %parallel_loop3A_271] {strides = array<i32>} : memref<1280x32xf32, #tpu.memory_space<vmem>>, vector<16xf32>,
        %parallel_loop3A_273 = vector.broadcast %parallel_loop3A_268 : i32 to vector<16xi32>
        %parallel_loop3A_274 = arith.addf %parallel_loop3A_272, %get3A_169 : vector<16xf32>
        tpu.vector_store_idx %arg8[%broadcast_in_dim3A, %broadcast_in_dim3A_163, %add3A_180, %and3A_101, %parallel_loop3A_273], %parallel_loop3A_274 : memref<2x5x4x8x129xf32, #tpu.memory_space<vmem>>[vector<16xi32>, vector<16xi32>, vector<16xi32>, vector<16xi32>, vector<16xi32>], vector<16xf32>,
      } {sc.loop_unroll_factor = 8 : i64, sc.parallel_access}
      %mul3A_186 = arith.constant 5 : i32
      %mul3A_187 = arith.muli %scan3A_77, %mul3A_186 : i32
      %add3A_188 = arith.constant 3 : i32
      %add3A_189 = arith.addi %mul3A_187, %add3A_188 : i32
      %broadcast_in_dim3A_190 = arith.constant 3 : i32
      %broadcast_in_dim3A_191 = vector.broadcast %broadcast_in_dim3A_190 : i32 to vector<16xi32>
      %get3A_192 = arith.index_cast %add3A_189 : i32 to index
      %get3A_193 = arith.constant 0 : index
      %get3A_194 = tpu.vector_load %arg9[%get3A_192, %get3A_193] {strides = array<i32>} : memref<200x32xf32, #tpu.memory_space<vmem>>, vector<16xf32>,
      %get3A_195 = arith.index_cast %add3A_189 : i32 to index
      %get3A_196 = arith.constant 16 : index
      %get3A_197 = tpu.vector_load %arg9[%get3A_195, %get3A_196] {strides = array<i32>} : memref<200x32xf32, #tpu.memory_space<vmem>>, vector<16xf32>,
      %add3A_198 = arith.constant 0 : i32
      %add3A_199 = vector.broadcast %add3A_198 : i32 to vector<16xi32>
      %add3A_200 = arith.addi %shift_right_logical3A_103, %add3A_199 : vector<16xi32>
      %add3A_201 = arith.constant 384 : i32
      %add3A_202 = arith.addi %mul3A_99, %add3A_201 : i32
      %parallel_loop3A_203 = arith.constant 0 : i32
      %parallel_loop3A_204 = arith.constant 128 : i32
      %parallel_loop3A_205 = arith.constant 1 : i32
      scf.for %parallel_loop3A_268 = %parallel_loop3A_203 to %parallel_loop3A_204 step %parallel_loop3A_205  : i32 {
        %parallel_loop3A_269 = arith.addi %add3A_202, %parallel_loop3A_268 : i32
        %parallel_loop3A_270 = arith.index_cast %parallel_loop3A_269 : i32 to index
        %parallel_loop3A_271 = arith.constant 0 : index
        %parallel_loop3A_272 = tpu.vector_load %arg7[%parallel_loop3A_270, %parallel_loop3A_271] {strides = array<i32>} : memref<1280x32xf32, #tpu.memory_space<vmem>>, vector<16xf32>,
        %parallel_loop3A_273 = vector.broadcast %parallel_loop3A_268 : i32 to vector<16xi32>
        %parallel_loop3A_274 = arith.addf %parallel_loop3A_272, %get3A_194 : vector<16xf32>
        tpu.vector_store_idx %arg8[%broadcast_in_dim3A, %broadcast_in_dim3A_191, %add3A_200, %and3A_101, %parallel_loop3A_273], %parallel_loop3A_274 : memref<2x5x4x8x129xf32, #tpu.memory_space<vmem>>[vector<16xi32>, vector<16xi32>, vector<16xi32>, vector<16xi32>, vector<16xi32>], vector<16xf32>,
      } {sc.loop_unroll_factor = 8 : i64, sc.parallel_access}
      %add3A_206 = arith.constant 2 : i32
      %add3A_207 = vector.broadcast %add3A_206 : i32 to vector<16xi32>
      %add3A_208 = arith.addi %shift_right_logical3A_103, %add3A_207 : vector<16xi32>
      %add3A_209 = arith.constant 384 : i32
      %add3A_210 = arith.addi %mul3A_99, %add3A_209 : i32
      %parallel_loop3A_211 = arith.constant 0 : i32
      %parallel_loop3A_212 = arith.constant 128 : i32
      %parallel_loop3A_213 = arith.constant 1 : i32
      scf.for %parallel_loop3A_268 = %parallel_loop3A_211 to %parallel_loop3A_212 step %parallel_loop3A_213  : i32 {
        %parallel_loop3A_269 = arith.addi %add3A_210, %parallel_loop3A_268 : i32
        %parallel_loop3A_270 = arith.index_cast %parallel_loop3A_269 : i32 to index
        %parallel_loop3A_271 = arith.constant 16 : index
        %parallel_loop3A_272 = tpu.vector_load %arg7[%parallel_loop3A_270, %parallel_loop3A_271] {strides = array<i32>} : memref<1280x32xf32, #tpu.memory_space<vmem>>, vector<16xf32>,
        %parallel_loop3A_273 = vector.broadcast %parallel_loop3A_268 : i32 to vector<16xi32>
        %parallel_loop3A_274 = arith.addf %parallel_loop3A_272, %get3A_197 : vector<16xf32>
        tpu.vector_store_idx %arg8[%broadcast_in_dim3A, %broadcast_in_dim3A_191, %add3A_208, %and3A_101, %parallel_loop3A_273], %parallel_loop3A_274 : memref<2x5x4x8x129xf32, #tpu.memory_space<vmem>>[vector<16xi32>, vector<16xi32>, vector<16xi32>, vector<16xi32>, vector<16xi32>], vector<16xf32>,
      } {sc.loop_unroll_factor = 8 : i64, sc.parallel_access}
      %mul3A_214 = arith.constant 5 : i32
      %mul3A_215 = arith.muli %scan3A_77, %mul3A_214 : i32
      %add3A_216 = arith.constant 4 : i32
      %add3A_217 = arith.addi %mul3A_215, %add3A_216 : i32
      %broadcast_in_dim3A_218 = arith.constant 4 : i32
      %broadcast_in_dim3A_219 = vector.broadcast %broadcast_in_dim3A_218 : i32 to vector<16xi32>
      %get3A_220 = arith.index_cast %add3A_217 : i32 to index
      %get3A_221 = arith.constant 0 : index
      %get3A_222 = tpu.vector_load %arg9[%get3A_220, %get3A_221] {strides = array<i32>} : memref<200x32xf32, #tpu.memory_space<vmem>>, vector<16xf32>,
      %get3A_223 = arith.index_cast %add3A_217 : i32 to index
      %get3A_224 = arith.constant 16 : index
      %get3A_225 = tpu.vector_load %arg9[%get3A_223, %get3A_224] {strides = array<i32>} : memref<200x32xf32, #tpu.memory_space<vmem>>, vector<16xf32>,
      %add3A_226 = arith.constant 0 : i32
      %add3A_227 = vector.broadcast %add3A_226 : i32 to vector<16xi32>
      %add3A_228 = arith.addi %shift_right_logical3A_103, %add3A_227 : vector<16xi32>
      %add3A_229 = arith.constant 512 : i32
      %add3A_230 = arith.addi %mul3A_99, %add3A_229 : i32
      %parallel_loop3A_231 = arith.constant 0 : i32
      %parallel_loop3A_232 = arith.constant 128 : i32
      %parallel_loop3A_233 = arith.constant 1 : i32
      scf.for %parallel_loop3A_268 = %parallel_loop3A_231 to %parallel_loop3A_232 step %parallel_loop3A_233  : i32 {
        %parallel_loop3A_269 = arith.addi %add3A_230, %parallel_loop3A_268 : i32
        %parallel_loop3A_270 = arith.index_cast %parallel_loop3A_269 : i32 to index
        %parallel_loop3A_271 = arith.constant 0 : index
        %parallel_loop3A_272 = tpu.vector_load %arg7[%parallel_loop3A_270, %parallel_loop3A_271] {strides = array<i32>} : memref<1280x32xf32, #tpu.memory_space<vmem>>, vector<16xf32>,
        %parallel_loop3A_273 = vector.broadcast %parallel_loop3A_268 : i32 to vector<16xi32>
        %parallel_loop3A_274 = arith.addf %parallel_loop3A_272, %get3A_222 : vector<16xf32>
        tpu.vector_store_idx %arg8[%broadcast_in_dim3A, %broadcast_in_dim3A_219, %add3A_228, %and3A_101, %parallel_loop3A_273], %parallel_loop3A_274 : memref<2x5x4x8x129xf32, #tpu.memory_space<vmem>>[vector<16xi32>, vector<16xi32>, vector<16xi32>, vector<16xi32>, vector<16xi32>], vector<16xf32>,
      } {sc.loop_unroll_factor = 8 : i64, sc.parallel_access}
      %add3A_234 = arith.constant 2 : i32
      %add3A_235 = vector.broadcast %add3A_234 : i32 to vector<16xi32>
      %add3A_236 = arith.addi %shift_right_logical3A_103, %add3A_235 : vector<16xi32>
      %add3A_237 = arith.constant 512 : i32
      %add3A_238 = arith.addi %mul3A_99, %add3A_237 : i32
      %parallel_loop3A_239 = arith.constant 0 : i32
      %parallel_loop3A_240 = arith.constant 128 : i32
      %parallel_loop3A_241 = arith.constant 1 : i32
      scf.for %parallel_loop3A_268 = %parallel_loop3A_239 to %parallel_loop3A_240 step %parallel_loop3A_241  : i32 {
        %parallel_loop3A_269 = arith.addi %add3A_238, %parallel_loop3A_268 : i32
        %parallel_loop3A_270 = arith.index_cast %parallel_loop3A_269 : i32 to index
        %parallel_loop3A_271 = arith.constant 16 : index
        %parallel_loop3A_272 = tpu.vector_load %arg7[%parallel_loop3A_270, %parallel_loop3A_271] {strides = array<i32>} : memref<1280x32xf32, #tpu.memory_space<vmem>>, vector<16xf32>,
        %parallel_loop3A_273 = vector.broadcast %parallel_loop3A_268 : i32 to vector<16xi32>
        %parallel_loop3A_274 = arith.addf %parallel_loop3A_272, %get3A_225 : vector<16xf32>
        tpu.vector_store_idx %arg8[%broadcast_in_dim3A, %broadcast_in_dim3A_219, %add3A_236, %and3A_101, %parallel_loop3A_273], %parallel_loop3A_274 : memref<2x5x4x8x129xf32, #tpu.memory_space<vmem>>[vector<16xi32>, vector<16xi32>, vector<16xi32>, vector<16xi32>, vector<16xi32>], vector<16xf32>,
      } {sc.loop_unroll_factor = 8 : i64, sc.parallel_access}
      %mul3A_242 = arith.constant 5 : i32
      %mul3A_243 = arith.muli %scan3A_77, %mul3A_242 : i32
      %dma_start3A_244 = arith.constant 0 : i32
      %dma_start3A_245 = arith.constant 0 : i32
      %dma_start3A_246 = arith.constant 0 : i32
      %dma_start3A_247 = arith.constant 0 : i32
      %dma_start3A_248 = tpu.memref_slice %arg8[%rem3A_78, %dma_start3A_244, %dma_start3A_245, %dma_start3A_246, %dma_start3A_247] : memref<2x5x4x8x129xf32, #tpu.memory_space<vmem>> -> memref<1x5x4x8x128xf32, #tpu.memory_space<vmem>>
      %dma_start3A_249 = tpu.memref_squeeze %dma_start3A_248 : memref<1x5x4x8x128xf32, #tpu.memory_space<vmem>> -> memref<5x4x8x128xf32, #tpu.memory_space<vmem>>
      %dma_start3A_250 = arith.constant 0 : i32
      %dma_start3A_251 = arith.constant 0 : i32
      %dma_start3A_252 = arith.constant 0 : i32
      %dma_start3A_253 = tpu.memref_slice %arg5[%mul3A_243, %dma_start3A_250, %add3A, %dma_start3A_251, %dma_start3A_252] : memref<200x4x32x8x128xf32, #tpu.memory_space<hbm>> -> memref<5x4x1x8x128xf32, #tpu.memory_space<hbm>>
      %dma_start3A_254 = tpu.memref_squeeze %dma_start3A_253 : memref<5x4x1x8x128xf32, #tpu.memory_space<hbm>> -> memref<5x4x8x128xf32, #tpu.memory_space<hbm>>
      %dma_start3A_255 = tpu.memref_slice %arg11[%rem3A_78] : memref<2x!tpu.dma_semaphore, #tpu.memory_space<semaphore_mem>> -> memref<1x!tpu.dma_semaphore, #tpu.memory_space<semaphore_mem>>
      %dma_start3A_256 = tpu.memref_squeeze %dma_start3A_255 : memref<1x!tpu.dma_semaphore, #tpu.memory_space<semaphore_mem>> -> memref<!tpu.dma_semaphore, #tpu.memory_space<semaphore_mem>>
      %dma_start3A_257 = arith.constant 0 : i32
      %dma_start3A_258 = arith.constant 0 : i32
      %dma_start3A_259 = arith.constant 0 : i32
      %dma_start3A_260 = tpu.memref_slice %arg5[%mul3A_243, %dma_start3A_257, %add3A, %dma_start3A_258, %dma_start3A_259] : memref<200x4x32x8x128xf32, #tpu.memory_space<hbm>> -> memref<5x4x1x8x128xf32, #tpu.memory_space<hbm>>
      %dma_start3A_261 = tpu.memref_squeeze %dma_start3A_260 : memref<5x4x1x8x128xf32, #tpu.memory_space<hbm>> -> memref<5x4x8x128xf32, #tpu.memory_space<hbm>>
      %dma_start3A_262 = arith.constant 0 : i32
      %dma_start3A_263 = arith.constant 0 : i32
      %dma_start3A_264 = arith.constant 0 : i32
      %dma_start3A_265 = arith.constant 0 : i32
      %dma_start3A_266 = tpu.memref_slice %arg8[%rem3A_78, %dma_start3A_262, %dma_start3A_263, %dma_start3A_264, %dma_start3A_265] : memref<2x5x4x8x129xf32, #tpu.memory_space<vmem>> -> memref<1x5x4x8x128xf32, #tpu.memory_space<vmem>>
      %dma_start3A_267 = tpu.memref_squeeze %dma_start3A_266 : memref<1x5x4x8x128xf32, #tpu.memory_space<vmem>> -> memref<5x4x8x128xf32, #tpu.memory_space<vmem>>
      tpu.enqueue_dma source(%dma_start3A_267 : memref<5x4x8x128xf32, #tpu.memory_space<vmem>>) target(%dma_start3A_261 : memref<5x4x8x128xf32, #tpu.memory_space<hbm>>) target_semaphore(%dma_start3A_256 : memref<!tpu.dma_semaphore, #tpu.memory_space<semaphore_mem>>)
    }
    %scan3A_21 = arith.constant 40 : i32
    %dma_wait3A = arith.constant 0 : i32
    %dma_wait3A_22 = arith.constant 0 : i32
    %dma_wait3A_23 = arith.constant 0 : i32
    %dma_wait3A_24 = arith.constant 0 : i32
    %dma_wait3A_25 = arith.constant 0 : i32
    %dma_wait3A_26 = arith.constant 0 : i32
    %dma_wait3A_27 = tpu.memref_slice %arg8[%dma_wait3A, %dma_wait3A_23, %dma_wait3A_24, %dma_wait3A_25, %dma_wait3A_26] : memref<2x5x4x8x129xf32, #tpu.memory_space<vmem>> -> memref<1x5x4x8x128xf32, #tpu.memory_space<vmem>>
    %dma_wait3A_28 = tpu.memref_squeeze %dma_wait3A_27 : memref<1x5x4x8x128xf32, #tpu.memory_space<vmem>> -> memref<5x4x8x128xf32, #tpu.memory_space<vmem>>
    %dma_wait3A_29 = arith.constant 190 : i32
    %dma_wait3A_30 = arith.constant 0 : i32
    %dma_wait3A_31 = arith.constant 0 : i32
    %dma_wait3A_32 = arith.constant 0 : i32
    %dma_wait3A_33 = tpu.memref_slice %arg5[%dma_wait3A_29, %dma_wait3A_30, %add3A, %dma_wait3A_31, %dma_wait3A_32] : memref<200x4x32x8x128xf32, #tpu.memory_space<hbm>> -> memref<5x4x1x8x128xf32, #tpu.memory_space<hbm>>
    %dma_wait3A_34 = tpu.memref_squeeze %dma_wait3A_33 : memref<5x4x1x8x128xf32, #tpu.memory_space<hbm>> -> memref<5x4x8x128xf32, #tpu.memory_space<hbm>>
    %dma_wait3A_35 = tpu.memref_slice %arg11[%dma_wait3A_22] : memref<2x!tpu.dma_semaphore, #tpu.memory_space<semaphore_mem>> -> memref<1x!tpu.dma_semaphore, #tpu.memory_space<semaphore_mem>>
    %dma_wait3A_36 = tpu.memref_squeeze %dma_wait3A_35 : memref<1x!tpu.dma_semaphore, #tpu.memory_space<semaphore_mem>> -> memref<!tpu.dma_semaphore, #tpu.memory_space<semaphore_mem>>
    %dma_wait3A_37 = arith.constant 190 : i32
    %dma_wait3A_38 = arith.constant 0 : i32
    %dma_wait3A_39 = arith.constant 0 : i32
    %dma_wait3A_40 = arith.constant 0 : i32
    %dma_wait3A_41 = tpu.memref_slice %arg5[%dma_wait3A_37, %dma_wait3A_38, %add3A, %dma_wait3A_39, %dma_wait3A_40] : memref<200x4x32x8x128xf32, #tpu.memory_space<hbm>> -> memref<5x4x1x8x128xf32, #tpu.memory_space<hbm>>
    %dma_wait3A_42 = tpu.memref_squeeze %dma_wait3A_41 : memref<5x4x1x8x128xf32, #tpu.memory_space<hbm>> -> memref<5x4x8x128xf32, #tpu.memory_space<hbm>>
    %dma_wait3A_43 = arith.constant 0 : i32
    %dma_wait3A_44 = arith.constant 0 : i32
    %dma_wait3A_45 = arith.constant 0 : i32
    %dma_wait3A_46 = arith.constant 0 : i32
    %dma_wait3A_47 = tpu.memref_slice %arg8[%dma_wait3A, %dma_wait3A_43, %dma_wait3A_44, %dma_wait3A_45, %dma_wait3A_46] : memref<2x5x4x8x129xf32, #tpu.memory_space<vmem>> -> memref<1x5x4x8x128xf32, #tpu.memory_space<vmem>>
    %dma_wait3A_48 = tpu.memref_squeeze %dma_wait3A_47 : memref<1x5x4x8x128xf32, #tpu.memory_space<vmem>> -> memref<5x4x8x128xf32, #tpu.memory_space<vmem>>
    tpu.wait_dma2 semaphore(%dma_wait3A_36 : memref<!tpu.dma_semaphore, #tpu.memory_space<semaphore_mem>>) src(%dma_wait3A_48 : memref<5x4x8x128xf32, #tpu.memory_space<vmem>>) dst(%dma_wait3A_42 : memref<5x4x8x128xf32, #tpu.memory_space<hbm>>)
    %dma_wait3A_49 = arith.constant 1 : i32
    %dma_wait3A_50 = arith.constant 1 : i32
    %dma_wait3A_51 = arith.constant 0 : i32
    %dma_wait3A_52 = arith.constant 0 : i32
    %dma_wait3A_53 = arith.constant 0 : i32
    %dma_wait3A_54 = arith.constant 0 : i32
    %dma_wait3A_55 = tpu.memref_slice %arg8[%dma_wait3A_49, %dma_wait3A_51, %dma_wait3A_52, %dma_wait3A_53, %dma_wait3A_54] : memref<2x5x4x8x129xf32, #tpu.memory_space<vmem>> -> memref<1x5x4x8x128xf32, #tpu.memory_space<vmem>>
    %dma_wait3A_56 = tpu.memref_squeeze %dma_wait3A_55 : memref<1x5x4x8x128xf32, #tpu.memory_space<vmem>> -> memref<5x4x8x128xf32, #tpu.memory_space<vmem>>
    %dma_wait3A_57 = arith.constant 195 : i32
    %dma_wait3A_58 = arith.constant 0 : i32
    %dma_wait3A_59 = arith.constant 0 : i32
    %dma_wait3A_60 = arith.constant 0 : i32
    %dma_wait3A_61 = tpu.memref_slice %arg5[%dma_wait3A_57, %dma_wait3A_58, %add3A, %dma_wait3A_59, %dma_wait3A_60] : memref<200x4x32x8x128xf32, #tpu.memory_space<hbm>> -> memref<5x4x1x8x128xf32, #tpu.memory_space<hbm>>
    %dma_wait3A_62 = tpu.memref_squeeze %dma_wait3A_61 : memref<5x4x1x8x128xf32, #tpu.memory_space<hbm>> -> memref<5x4x8x128xf32, #tpu.memory_space<hbm>>
    %dma_wait3A_63 = tpu.memref_slice %arg11[%dma_wait3A_50] : memref<2x!tpu.dma_semaphore, #tpu.memory_space<semaphore_mem>> -> memref<1x!tpu.dma_semaphore, #tpu.memory_space<semaphore_mem>>
    %dma_wait3A_64 = tpu.memref_squeeze %dma_wait3A_63 : memref<1x!tpu.dma_semaphore, #tpu.memory_space<semaphore_mem>> -> memref<!tpu.dma_semaphore, #tpu.memory_space<semaphore_mem>>
    %dma_wait3A_65 = arith.constant 195 : i32
    %dma_wait3A_66 = arith.constant 0 : i32
    %dma_wait3A_67 = arith.constant 0 : i32
    %dma_wait3A_68 = arith.constant 0 : i32
    %dma_wait3A_69 = tpu.memref_slice %arg5[%dma_wait3A_65, %dma_wait3A_66, %add3A, %dma_wait3A_67, %dma_wait3A_68] : memref<200x4x32x8x128xf32, #tpu.memory_space<hbm>> -> memref<5x4x1x8x128xf32, #tpu.memory_space<hbm>>
    %dma_wait3A_70 = tpu.memref_squeeze %dma_wait3A_69 : memref<5x4x1x8x128xf32, #tpu.memory_space<hbm>> -> memref<5x4x8x128xf32, #tpu.memory_space<hbm>>
    %dma_wait3A_71 = arith.constant 0 : i32
    %dma_wait3A_72 = arith.constant 0 : i32
    %dma_wait3A_73 = arith.constant 0 : i32
    %dma_wait3A_74 = arith.constant 0 : i32
    %dma_wait3A_75 = tpu.memref_slice %arg8[%dma_wait3A_49, %dma_wait3A_71, %dma_wait3A_72, %dma_wait3A_73, %dma_wait3A_74] : memref<2x5x4x8x129xf32, #tpu.memory_space<vmem>> -> memref<1x5x4x8x128xf32, #tpu.memory_space<vmem>>
    %dma_wait3A_76 = tpu.memref_squeeze %dma_wait3A_75 : memref<1x5x4x8x128xf32, #tpu.memory_space<vmem>> -> memref<5x4x8x128xf32, #tpu.memory_space<vmem>>
    tpu.wait_dma2 semaphore(%dma_wait3A_64 : memref<!tpu.dma_semaphore, #tpu.memory_space<semaphore_mem>>) src(%dma_wait3A_76 : memref<5x4x8x128xf32, #tpu.memory_space<vmem>>) dst(%dma_wait3A_70 : memref<5x4x8x128xf32, #tpu.memory_space<hbm>>)
    return
  }
}

</mosaic_0001>

<sc_bundles>
// kernel: _run.3.cloned.1.call-start
scs
__scs_entry_jumppad:
0x0: {  	(pc) =	sbr.rel $0x88, $3  }
0x1: {  	(tag) =	ssettag $0x0;
	lr =	simm.s32 $0x1  }
0x2: {  	[smem:$0x3F9E] =	sst lr;
	_ =	strace $0xD0000000  }
0x3: {  	_ = 	snop  }
0x4: {  	_ = 	snop  }
0x5: {  	_ = 	snop  }
0x6: {  	_ = 	snop  }
0x7: {  	_ = 	snop  }
__scs_overlays_trampoline_lowered:
0x8: {  	[smem:$0x3FAD] =	sst s0  }
0x9: {  	[smem:$0x3FAE] =	sst s1  }
0xa: {  	[smem:$0x3FAF] =	sst s2  }
0xb: {  	[smem:$0x3FB0] =	sst s3  }
0xc: {  	[smem:$0x3FB1] =	sst s4  }
0xd: {  	[smem:$0x3FB2] =	sst s5  }
0xe: {  	[smem:$0x3FB3] =	sst s6  }
0xf: {  	[smem:$0x3FB4] =	sst s7  }
0x10: {  	[smem:$0x3FB5] =	sst s8  }
0x11: {  	[smem:$0x3FB6] =	sst s9;
	s0 =	simm.s32 @!p0 $0x0  }
0x12: {  	s1 =	sld [smem:$0x3F9C];
	s0 =	simm.s32 @p0 $0x1  }
0x13: {  	[smem:$0x3FB7] =	sst s0;
	s0 =	simm.s32 @!p1 $0x0  }
0x14: {  	s2 =	sld [smem:$0x3F9B];
	s0 =	simm.s32 @p1 $0x1  }
0x15: {  	[smem:$0x3FB8] =	sst s0;
	s0 =	simm.s32 @!p2 $0x0  }
0x16: {  	s3 =	sld [smem:$0x3FDB];
	s0 =	simm.s32 @p2 $0x1  }
0x17: {  	s4 =	simm.s32 $0x1BF5;
	[smem:$0x3FBA] =	sst s0  }
0x18: {  	s0 =	sld [smem:$0x3F9D];
	_ =	swait.ge [sflag:s4], $0x0  }
0x19: {  	s7 =	sld [smem:$0x3F9E]  }
0x1a: {  	s8 =	sadd.s32 $0xFFFFE003, lr  }
0x1b: {  	s9 =	sadd.s32 $0xFFFFFEF7, lr;
	s5 =	simm.s32 $0xFFFFFFFF;
	p2 =	slt.u32 s8, $0xFFFFF086  }
0x1c: {  	p1 =	slt.u32 s9, $0xF7A;
	s5 =	simm.s32 @!p2 $0x0  }
0x1d: {  	s5 =	simm.s32 @p1 $0x1;
	p0 =	seq.s32 s7, s2  }
0x1e: {  	s7 =	smul.u32 @!p0 $0xF7A, s2;
	p2 =	seq.s32 @!p0 s5, $0x0  }
0x1f: {  	s9 =	smul.u32 $0xF7A, s1;
	s8 =	simm.s32 @!p0 $0x1BF5;
	p2 =	por !p2, p0  }
0x20: {  	[sflag:s8] =	ssyncset.s32 @!p0 $0xFFFFF086;
	s6 =	sadd.s32 @!p0 s3, s7;
	s7 =	simm.s32 @!p0 $0x108  }
0x21: {  	s3 =	sadd.s32 s3, s9;
	s6 =	sadd.s32 @!p0 $0x88, s6;
	s7 =	simm.s32 @p2 $0x1082  }
0x22: {  	[simem:s7], [sflag:s8] =	dma.local @!p0 [hbm:s6], $0xF7A  }
0x23: {  	s9 =	sor.u32 $0xD0000000, s2;
	s6 =	simm.s32 $0x108;
	_ =	swait.ge @!p0 [sflag:s8], $0x0  }
0x24: {  	s3 =	sadd.s32 $0x88, s3;
	s6 =	simm.s32 @!p1 $0x1082;
	[sflag:s4] =	ssyncset.s32 $0xFFFFF086  }
0x25: {  	[simem:s6], [sflag:s4] =	dma.local [hbm:s3], $0xF7A  }
0x26: {  	[smem:$0x3F9E] =	sst s1;
	(tag) =	ssettag s2;
	_ =	strace s9  }
0x27: {  	s1 =	sld [smem:$0x3FAE]  }
0x28: {  	s2 =	sld [smem:$0x3FAF]  }
0x29: {  	s4 =	sld [smem:$0x3FB1]  }
0x2a: {  	p0 =	seq.s32 s5, $0x0;
	s5 =	sld [smem:$0x3FB2]  }
0x2b: {  	s6 =	sld [smem:$0x3FB3]  }
0x2c: {  	s7 =	sld [smem:$0x3FB4]  }
0x2d: {  	s3 =	simm.s32 $0x108;
	s8 =	sld [smem:$0x3FB5]  }
0x2e: {  	s3 =	simm.s32 @!p0 $0x1082;
	s9 =	sld [smem:$0x3FB6]  }
0x2f: {  	lr =	sadd.s32 s0, s3;
	s0 =	sld [smem:$0x3FAD]  }
0x30: {  	s3 =	sld [smem:$0x3FB0]  }
0x31: {  	[smem:$0x3FB9] =	sst s10  }
0x32: {  	s10 =	sld [smem:$0x3FB7];
	_ =	sdelay $0x3  }
0x33: {  	p0 =	seq.s32 s10, $0x1;
	s10 =	sld [smem:$0x3FB9];
	_ =	sdelay $0x3  }
0x34: {  	[smem:$0x3FB9] =	sst s10  }
0x35: {  	s10 =	sld [smem:$0x3FB8];
	_ =	sdelay $0x3  }
0x36: {  	p1 =	seq.s32 s10, $0x1;
	s10 =	sld [smem:$0x3FB9];
	_ =	sdelay $0x3  }
0x37: {  	[smem:$0x3FB9] =	sst s10  }
0x38: {  	s10 =	sld [smem:$0x3FBA]  }
0x39: {  	_ = 	snop;
	(pc) =	sbr.ind lr, $3  }
0x3a: {  	_ = 	snop  }
0x3b: {  	_ = 	snop  }
0x3c: {  	p2 =	seq.s32 s10, $0x1;
	s10 =	sld [smem:$0x3FB9]  }
0x3d: {  	_ =	shalt  }
0x3e: {  	_ =	shalt  }
0x3f: {  	_ =	shalt  }
0x40: {  	_ =	shalt  }
0x41: {  	_ =	shalt  }
0x42: {  	_ =	shalt  }
0x43: {  	_ =	shalt  }
0x44: {  	_ =	shalt  }
0x45: {  	_ =	shalt  }
0x46: {  	_ =	shalt  }
0x47: {  	_ =	shalt  }
0x48: {  	_ =	shalt  }
0x49: {  	_ =	shalt  }
0x4a: {  	_ =	shalt  }
0x4b: {  	_ =	shalt  }
0x4c: {  	_ =	shalt  }
0x4d: {  	_ =	shalt  }
0x4e: {  	_ =	shalt  }
0x4f: {  	_ =	shalt  }
0x50: {  	_ =	shalt  }
0x51: {  	_ =	shalt  }
0x52: {  	_ =	shalt  }
0x53: {  	_ =	shalt  }
0x54: {  	_ =	shalt  }
0x55: {  	_ =	shalt  }
0x56: {  	_ =	shalt  }
0x57: {  	_ =	shalt  }
0x58: {  	_ =	shalt  }
0x59: {  	_ =	shalt  }
0x5a: {  	_ =	shalt  }
0x5b: {  	_ =	shalt  }
0x5c: {  	_ =	shalt  }
0x5d: {  	_ =	shalt  }
0x5e: {  	_ =	shalt  }
0x5f: {  	_ =	shalt  }
0x60: {  	_ =	shalt  }
0x61: {  	_ =	shalt  }
0x62: {  	_ =	shalt  }
0x63: {  	_ =	shalt  }
0x64: {  	_ =	shalt  }
0x65: {  	_ =	shalt  }
0x66: {  	_ =	shalt  }
0x67: {  	_ =	shalt  }
0x68: {  	_ =	shalt  }
0x69: {  	_ =	shalt  }
0x6a: {  	_ =	shalt  }
0x6b: {  	_ =	shalt  }
0x6c: {  	_ =	shalt  }
0x6d: {  	_ =	shalt  }
0x6e: {  	_ =	shalt  }
0x6f: {  	_ =	shalt  }
0x70: {  	_ =	shalt  }
0x71: {  	_ =	shalt  }
0x72: {  	_ =	shalt  }
0x73: {  	_ =	shalt  }
0x74: {  	_ =	shalt  }
0x75: {  	_ =	shalt  }
0x76: {  	_ =	shalt  }
0x77: {  	_ =	shalt  }
0x78: {  	_ =	shalt  }
0x79: {  	_ =	shalt  }
0x7a: {  	_ =	shalt  }
0x7b: {  	_ =	shalt  }
0x7c: {  	_ =	shalt  }
0x7d: {  	_ =	shalt  }
0x7e: {  	_ =	shalt  }
0x7f: {  	_ =	shalt  }
0x80: {  	_ =	shalt  }
0x81: {  	_ =	shalt  }
0x82: {  	_ =	shalt  }
0x83: {  	_ =	shalt  }
0x84: {  	_ =	shalt  }
0x85: {  	_ =	shalt  }
0x86: {  	_ =	shalt  }
0x87: {  	_ =	shalt  }
.Lfunc_end0:
.L_simem_size_0:
called_computation_lowered:
.L_overlay_start_0:
0x88: {  	s2 =	sld [smem:$0x3FD9]  }
0x89: {  	s3 =	sld [smem:$0x3FFE];
	_ =	sdelay $0x1  }
0x8a: {  	s1 =	srdreg.scid  }
0x8b: {  	s0 =	sand.u32 $0x1, s1  }
0x8c: {  	s17 =	sshll.u32 s0, $0xA;
	s2 =	sadd.s32 s3, s2  }
0x8d: {  	s2 =	sadd.s32 s2, s17  }
0x8e: {  	[smem:$0x3FC5] =	sst s2  }
0x8f: {  	_ = 	snop  }
0x90: {  	s2 =	sld [smem:$0x3FC9]  }
0x91: {  	s18 =	sld [smem:$0x3FD0];
	(tm) =	ssettm $0x1  }
0x92: {  	s4 =	sld [smem:$0x3FFB];
	_ =	sdelay $0x3  }
0x93: {  	_ =	strace s4  }
0x94: {  	s4 =	sld [smem:$0x3FFC];
	_ =	sdelay $0x3  }
0x95: {  	_ =	strace s4  }
0x96: {  	s4 =	sld [smem:$0x3FFD];
	_ =	sdelay $0x3  }
0x97: {  	_ =	strace s4  }
0x98: {  	_ =	strace $0x8FFFFFFF  }
0x99: {  	s19 =	sld [smem:$0x3FDB];
	_ =	sdelay $0x1  }
0x9a: {  	s5 =	simm.s32 $_scs_section_size  }
0x9b: {  	s6 =	simm.s32 $_size__tile_overlayer_lowered;
	s7 =	simm.s32 $_tile_overlayer_lowered  }
0x9c: {  	s22 =	simm.s32 $0x1BFF;
	s21 =	sshll.u32 s7, $0x1;
	s4 =	sadd.s32 s5, s19  }
0x9d: {  	s8 =	simm.s32 $0x0;
	s20 =	sshll.u32 s6, $0x1;
	s6 =	sadd.s32 s21, s4  }
0x9e: {  	[timem:s8], [sflag:s22] =	dma.local [hbm:s6], s20  }
0x9f: {  	_ =	swait.ge [sflag:s22], s20  }
0xa0: {  	s5 =	ssub.s32 $0x0, s20;
	[sflag:s22] =	ssyncset.done $0x0  }
0xa1: {  	[sflag:s22] =	ssyncadd.s32 s5;
	_ =	sdelay $0x1  }
0xa2: {  	s23 =	simm.s32 $0x1B8B  }
0xa3: {  	_ =	swait.ge [sflag:s23], $0x1  }
0xa4: {  	[sflag:s23] =	ssyncset.done $0x0  }
0xa5: {  	s25 =	simm.s32 $0x1B8E;
	s24 =	sld [smem:$0x3FFE];
	[sflag:s23] =	ssyncadd.s32 $0xFFFFFFFF  }
0xa6: {  	s26 =	simm.s32 $execute0_lowered;
	[smem:$0x3FD2] =	sst s25  }
0xa7: {  	s6 =	sshll.u32 s26, $0x1;
	_ =	strace $0x80000046;
	[dreg:$0x1] =	wrdreg $0xFFFFFFFF  }
0xa8: {  	s28 =	simm.s32 $_size_execute0_lowered;
	s4 =	sadd.s32 s4, s6;
	[dreg:$0x0] =	wrdreg $0x0  }
0xa9: {  	s6 =	sshll.u32 s28, $0x1;
	[dreg:$0x2] =	wrdreg s4  }
0xaa: {  	[dreg:$0x3] =	wrdreg s6  }
0xab: {  	[dreg:$0x4] =	wrdreg $0xC0  }
0xac: {  	_ =	task [dreg:s8], $0x5FFFF  }
0xad: {  	[dreg:$0x1] =	wrdreg $0xFFFFFFFF  }
0xae: {  	[dreg:$0x0] =	wrdreg $0x60  }
0xaf: {  	[dreg:$0x2] =	wrdreg s2  }
0xb0: {  	[dreg:$0x3] =	wrdreg s24  }
0xb1: {  	[dreg:$0x4] =	wrdreg s18  }
0xb2: {  	[dreg:$0x5] =	wrdreg $0x9  }
0xb3: {  	_ =	task.clear_ibuf [dreg:s8], $0x6FFFF;
	_ =	strace $0x90000046  }
0xb4: {  	s29 =	simm.s32 $0x9;
	_ =	strace $0x80000048  }
0xb5: {  	_ =	swait.ge [sflag:s29], $0x1  }
0xb6: {  	[sflag:s29] =	ssyncadd.s32 $0xFFFFFFFF  }
0xb7: {  	_ =	strace $0x90000048  }
0xb8: {  	_ =	sfence  }
0xb9: {  	s30 =	sld [smem:$0x0];
	_ =	sdelay $0x2  }
0xba: {  	s31 =	sshll.u32 s1, $0xD;
	s1 =	sshrl.u32 s1, $0x2  }
0xbb: {  	s3 =	sand.u32 $0x4000, s31;
	s1 =	sadd.s32 s1, s30  }
0xbc: {  	s0 =	sor.u32 s3, s0;
	s1 =	sshll.u32 s1, $0x11  }
0xbd: {  	s0 =	sor.u32 s1, s0  }
0xbe: {  	s0 =	sadd.s32 $0x8F2B, s0  }
0xbf: {  	[sflag:s0] =	ssyncadd.remote.s32 $0x1  }
0xc0: {  	_ =	sfence.sel $0xFFFF  }
0xc1: {  	[dreg:$0x0] =	wrdreg $0xFFFFFFFF;
	(pc) =	sbr.abs _section_cstart, $3  }
0xc2: {  	[dreg:$0x1] =	wrdreg $0xFFFFFFFF  }
0xc3: {  	_ =	task.clear_ibuf [dreg:s8], $0x2FFFF;
	_ =	strace $0x9FFFFFFF  }
0xc4: {  	(tm) =	ssettm $0x7FFFFFFF  }
0xc5: {  	_ =	shalt  }
tec
execute0_lowered:
.L_overlay_start_1:
0x0: {  	(tag) =	ssettag $0x1  }
0x1: {  	v0 =	vlaneseq.u32  }
0x2: {  	v0 =	vmul.u32 $0x88, v0;
	_ =	sdelay $0x1  }
0x3: {  	v2 =	vadd.s32 $0x880, v0  }
0x4: {  	v4 =	vadd.s32 $0x1101, v0;
	[tilespmem:$0x1FE00] =	vst v2  }
0x5: {  	v5 =	vadd.s32 $0x1107, v0;
	[tilespmem:$0x1FE20] =	vst v4  }
0x6: {  	v13 =	vadd.s32 $0x1982, v0;
	[tilespmem:$0x1FE30] =	vst v5  }
0x7: {  	v14 =	vadd.s32 $0x1983, v0;
	[tilespmem:$0x1FE40] =	vst v13  }
0x8: {  	v15 =	vadd.s32 $0x1984, v0;
	[tilespmem:$0x1FE50] =	vst v14  }
0x9: {  	v6 =	vadd.s32 $0x1986, v0;
	[tilespmem:$0x1FE60] =	vst v15  }
0xa: {  	v7 =	vadd.s32 $0x2201, v0;
	[tilespmem:$0x1FE70] =	vst v6  }
0xb: {  	s0 =	rddreg [dreg:$0x0];
	v63 =	vadd.s32 $0x2202, v0;
	[tilespmem:$0x1FE80] =	vst v7  }
0xc: {  	s1 =	rddreg [dreg:$0x1];
	s4 =	simm.s32 $0x0;
	v2 =	vadd.s32 $0x881, v0;
	[tilespmem:$0x1FE90] =	vst v63  }
0xd: {  	[smem:$0x7FF] =	sst s4;
	v19 =	vor.u32 $0x1, v0;
	[tilespmem:$0x1FE10] =	vst v2  }
0xe: {  	s2 =	rddreg [dreg:$0x2];
	v20 =	vor.u32 $0x2, v0;
	_ =	strace $0x80000047;
	[tilespmem:$0x1FEA0] =	vst v19  }
0xf: {  	v21 =	vor.u32 $0x3, v0;
	[tilespmem:$0x1FEB0] =	vst v20  }
0x10: {  	v22 =	vor.u32 $0x4, v0;
	[tilespmem:$0x1FEC0] =	vst v21  }
0x11: {  	v23 =	vor.u32 $0x5, v0;
	[tilespmem:$0x1FED0] =	vst v22  }
0x12: {  	v24 =	vor.u32 $0x6, v0;
	[tilespmem:$0x1FEE0] =	vst v23  }
0x13: {  	v25 =	vor.u32 $0x7, v0;
	[tilespmem:$0x1FEF0] =	vst v24  }
0x14: {  	v2 =	vadd.s32 $0x883, v0;
	[tilespmem:$0x1FF00] =	vst v25  }
0x15: {  	v1 =	vimm.s32 $0x0;
	vm0 =	vcmask $0x300;
	v8 =	vadd.s32 $0x884, v0;
	[tilespmem:$0x1FF10] =	vst v2  }
0x16: {  	v1 =	vsel vm0, $0x3, v1;
	v3 =	vadd.s32 $0x885, v0;
	[tilespmem:$0x1FF20] =	vst v8  }
0x17: {  	v26 =	vadd.s32 $0x882, v0;
	v9 =	vadd.s32 $0x886, v0;
	v11 =	vadd.s32 $0x887, v0;
	[tilespmem:$0x1FF30] =	vst v3  }
0x18: {  	v31 =	vadd.s32 $0x1100, v0;
	v30 =	vadd.s32 $0x1102, v0;
	v32 =	vadd.s32 $0x1103, v0;
	[tilespmem:$0x1FF40] =	vst v9  }
0x19: {  	v12 =	vadd.s32 $0x1104, v0;
	v10 =	vadd.s32 $0x1105, v0;
	v29 =	vadd.s32 $0x1106, v0;
	[tilespmem:$0x1FF50] =	vst v11  }
0x1a: {  	v28 =	vadd.s32 $0x1980, v0;
	v35 =	vadd.s32 $0x1981, v0;
	v33 =	vadd.s32 $0x1985, v0;
	[tilespmem:$0x1FF60] =	vst v31  }
0x1b: {  	v34 =	vadd.s32 $0x1987, v0;
	v27 =	vadd.s32 $0x2200, v0;
	v36 =	vadd.s32 $0x2203, v0;
	[tilespmem:$0x1FF70] =	vst v30  }
0x1c: {  	s3 =	srdreg.scid;
	s5 =	stileid.u32;
	v37 =	vadd.s32 $0x2204, v0;
	v38 =	vadd.s32 $0x2205, v0;
	v39 =	vadd.s32 $0x2206, v0;
	[tilespmem:$0x1FF80] =	vst v12  }
0x1d: {  	s15 =	simm.s32 $0xA500;
	s3 =	sand.u32 $0x1, s3;
	s5 =	sshll.u32 s5, $0x1;
	v40 =	vadd.s32 $0x2207, v0;
	v41 =	vadd.s32 $0x2A80, v0;
	v42 =	vadd.s32 $0x2A81, v0;
	[tilespmem:$0x1FF90] =	vst v10  }
0x1e: {  	s12 =	simm.s32 $0x5;
	s6 =	sor.u32 s3, s5;
	s5 =	sadd.s32 $0xF42A00, s1;
	v43 =	vadd.s32 $0x2A82, v0;
	v44 =	vadd.s32 $0x2A83, v0;
	v45 =	vadd.s32 $0x2A84, v0;
	[tilespmem:$0x1FFA0] =	vst v29  }
0x1f: {  	s16 =	simm.s32 $0x3;
	s17 =	simm.s32 $0x4;
	s8 =	smul.u32 $0x6400, s6;
	v46 =	vadd.s32 $0x2A85, v0;
	v47 =	vadd.s32 $0x2A86, v0;
	v48 =	vadd.s32 $0x2A87, v0;
	[tilespmem:$0x1FFB0] =	vst v28  }
0x20: {  	s18 =	simm.s32 $0x0;
	s3 =	ssub.s32 $0x2, s3;
	s1 =	sadd.s32 $0x600, s1;
	v49 =	vadd.s32 $0x3300, v0;
	v50 =	vadd.s32 $0x3301, v0;
	v51 =	vadd.s32 $0x3302, v0;
	[tilespmem:$0x1FFC0] =	vst v35  }
0x21: {  	s7 =	sshrl.u32 s3, $0x1;
	s9 =	sshll.u32 s6, $0xA;
	v52 =	vadd.s32 $0x3303, v0;
	v53 =	vadd.s32 $0x3304, v0;
	v54 =	vadd.s32 $0x3305, v0;
	s31 =	sshrl.u32 s8, $0x3;
	[tilespmem:$0x1FFD0] =	vst v33  }
0x22: {  	v55 =	vadd.s32 $0x3306, v0;
	v56 =	vadd.s32 $0x3307, v0;
	v57 =	vadd.s32 $0x3B80, v0;
	s30 =	ssub.s32 s3, s7;
	[dreg:$0x4] =	wrdreg s1;
	s3 =	sadd.s32 s0, s31;
	[tilespmem:$0x1FFE0] =	vst v34  }
0x23: {  	v58 =	vadd.s32 $0x3B81, v0;
	v59 =	vadd.s32 $0x3B82, v0;
	v60 =	vadd.s32 $0x3B83, v0;
	s8 =	sor.u32 $0x280, s8;
	s10 =	smax.u32 s30, $0x1;
	[tilespmem:$0x1FFF0] =	vst v27;
	[dreg:$0x5] =	wrdreg s3  }
.LBB2_1:
0x24: {  	s1 =	rddreg [dreg:$0x4];
	s3 =	simm.s32 $0x14F00  }
0x25: {  	[tilespmem:s3], [sflag:$0x5] =	stream.linear.gather [hbm4b:s1+s4], $0x1900, $0x38;
	[tilespmem:$0x16800] =	vst v63  }
0x26: {  	_ =	swait.ge [sflag:s12], $0x1900  }
0x27: {  	[sflag:s12] =	ssyncset.done $0x0  }
0x28: {  	s29 =	rddreg [dreg:$0x5];
	[sflag:s12] =	ssyncadd.s32 $0xFFFFE700  }
0x29: {  	[tilespmem:s4], [sflag:$0x5] =	stream.linear.gather [hbm4b:s29+s4], $0x280, $0x38;
	[tilespmem:$0x16800] =	vst v63  }
0x2a: {  	_ =	swait.ge [sflag:s12], $0x280  }
0x2b: {  	s30 =	simm.s32 $0x280;
	s31 =	simm.s32 $0x500;
	[sflag:s12] =	ssyncset.done $0x0  }
0x2c: {  	p0 =	por $0x0, $0x0;
	s19 =	simm.s32 $0x0;
	[sflag:s12] =	ssyncadd.s32 $0xFFFFFD80  }
0x2d: {  	[tilespmem:s31], [sflag:$0x1] =	stream.indirect.gather [hbm4b:s5+s30], $0x20, s4, s30, $0xb8;
	[tilespmem:$0x16800] =	vst v63  }
.LBB2_2:
0x2e: {  	p1 =	seq.s32 s19, $0x27  }
0x2f: {  	s20 =	sand.u32 $0x1, s19;
	s1 =	smul.u32 @!p1 $0x280, s19  }
0x30: {  	s3 =	sxor.u32 @!p1 $0x1, s20  }
0x31: {  	s6 =	smul.u32 @!p1 $0xA00, s3;
	s1 =	sadd.s32 @!p1 s1, s8  }
0x32: {  	s7 =	simm.s32 $0x0;
	s1 =	sshrl.u32 @!p1 s1, $0x3  }
0x33: {  	s11 =	simm.s32 @!p1 $0x0;
	s6 =	sshrl.u32 @!p1 s6, $0x2;
	s1 =	sadd.s32 @!p1 s0, s1  }
0x34: {  	[tilespmem:s6], [sflag:$0x5] =	stream.linear.gather @!p1 [hbm4b:s1+s11], $0x280, $0x38;
	[tilespmem:$0x16800] =	vst v63  }
0x35: {  	s13 =	simm.s32 $0x2;
	s14 =	simm.s32 $0x3;
	s1 =	simm.s32 @!p1 $0x5  }
0x36: {  	s21 =	simm.s32 $0x4;
	s11 =	smul.u32 @!p1 $0x14000, s3;
	_ =	swait.ge @!p1 [sflag:s1], $0x280  }
0x37: {  	s22 =	simm.s32 $0x6;
	s23 =	smul.u32 $0x280, s19;
	[sflag:s1] =	ssyncset.done @!p1 $0x0  }
0x38: {  	s26 =	sadd.s32 $0x1, s20;
	[sflag:s1] =	ssyncadd.s32 @!p1 $0xFFFFFD80;
	s1 =	sshrl.u32 @!p1 s11, $0x2  }
0x39: {  	s3 =	sadd.s32 @!p1 $0x1, s3;
	s11 =	simm.s32 @!p1 $0x280;
	s1 =	sor.u32 @!p1 $0x500, s1  }
0x3a: {  	v2 =	vmov s20;
	[tilespmem:s1], [sflag:s3] =	stream.indirect.gather @!p1 [hbm4b:s5+s11], $0x20, s6, s11, $0xb8;
	[tilespmem:$0x16800] =	vst v63  }
0x3b: {  	s24 =	simm.s32 $0x7;
	v4 =	vmov s13;
	s13 =	simm.s32 $0x5;
	v5 =	vmov s14;
	v6 =	vmov s21;
	_ =	swait.ge [sflag:s26], $0x5000  }
0x3c: {  	v8 =	vmov s22;
	v9 =	vmov s24;
	v61 =	vmul.u32 $0x5500, v2;
	s3 =	simm.s32 $0x1;
	p1 =	slt.u32 s19, $0x2;
	[sflag:s26] =	ssyncset.done $0x0  }
0x3d: {  	v2 =	vmov s7;
	v7 =	vmov s13;
	v4 =	vshrl.u32 v4, $0x3;
	s3 =	simm.s32 @!p0 $0x0;
	s1 =	sadd.s32 @!p1 $0x3, s20;
	[sflag:s26] =	ssyncadd.s32 $0xFFFFB000  }
0x3e: {  	v5 =	vshrl.u32 v5, $0x3;
	v6 =	vshrl.u32 v6, $0x3;
	v9 =	vshrl.u32 v9, $0x3;
	s25 =	smul.u32 $0x14000, s3;
	_ =	swait.ge @!p1 [sflag:s1], $0x5000  }
0x3f: {  	v2 =	vshrl.u32 v2, $0x3;
	v7 =	vshrl.u32 v7, $0x3;
	v4 =	vshll.u32 v4, v1;
	s11 =	simm.s32 $0x1;
	[sflag:s1] =	ssyncset.done @!p1 $0x0  }
0x40: {  	s24 =	sshra.s32 s23, $0x2;
	v5 =	vshll.u32 v5, v1;
	v2 =	vshll.u32 v2, v1;
	v3 =	vmov s11;
	[sflag:s1] =	ssyncadd.s32 @!p1 $0xFFFFB000;
	s1 =	sshrl.u32 s25, $0x2  }
0x41: {  	v9 =	vshll.u32 v9, v1;
	v10 =	vadd.s32 v61, v2;
	v3 =	vshrl.u32 v3, $0x3;
	v2 =	vld [tilespmem:s24+$0x14F00];
	s13 =	sor.u32 $0x580, s1  }
0x42: {  	v6 =	vshll.u32 v6, v1;
	v9 =	vadd.s32 v61, v9;
	v3 =	vshll.u32 v3, v1;
	v11 =	vld [tilespmem:s13+$0x60]  }
0x43: {  	v7 =	vshll.u32 v7, v1;
	v27 =	vbroadcast v9, $0x0;
	v3 =	vadd.s32 v61, v3;
	v9 =	vld [tilespmem:s13+$0xFFFFFFA0]  }
0x44: {  	v30 =	vbroadcast v3, $0x0;
	v3 =	vadd.s32 v61, v4;
	v4 =	vadd.s32 v61, v5;
	v5 =	vld [tilespmem:s13+$0xFFFFFFC0]  }
0x45: {  	v31 =	vbroadcast v3, $0x0;
	v3 =	vadd.s32 v61, v6;
	v6 =	vadd.s32 v25, v27;
	v13 =	vld [tilespmem:s13+$0xFFFFFFE0]  }
0x46: {  	v33 =	vbroadcast v4, $0x0;
	v4 =	vadd.s32 v61, v7;
	v12 =	vadd.s32 v19, v30;
	v14 =	vld [tilespmem:s13+$0x0]  }
0x47: {  	v8 =	vshrl.u32 v8, $0x3;
	v17 =	vbroadcast v4, $0x0;
	v15 =	vld [tilespmem:s13+$0x20]  }
0x48: {  	v8 =	vshll.u32 v8, v1;
	v35 =	vbroadcast v3, $0x0;
	v16 =	vld [tilespmem:s13+$0x40];
	v4 =	vadd.f32 v11, v2  }
0x49: {  	v3 =	vadd.s32 v61, v8;
	v7 =	vadd.s32 v20, v31;
	v63 =	vld [tilespmem:s13+$0xFFFFFF80];
	[tilespmem:$0x1FD90] =	vst v17;
	v9 =	vadd.f32 v9, v2  }
0x4a: {  	v62 =	vld [tilespmem:s24+$0x14F10];
	v8 =	vadd.s32 v21, v33;
	v18 =	vbroadcast v3, $0x0;
	[tilespmem:v6+s15+$0x0] =	vst.idx.msk $0xffff, v4  }
0x4b: {  	v10 =	vbroadcast v10, $0x0;
	v11 =	vadd.s32 v22, v35;
	[tilespmem:v12+s15+$0x0] =	vst.idx.msk $0xffff, v9  }
0x4c: {  	v3 =	vadd.f32 v5, v2;
	v5 =	vadd.s32 v23, v17;
	[tilespmem:$0x1FDA0] =	vst v18  }
0x4d: {  	v4 =	vadd.f32 v13, v2;
	[tilespmem:$0x1FDB0] =	vst v10  }
0x4e: {  	[tilespmem:v7+s15+$0x0] =	vst.idx.msk $0xffff, v3;
	v3 =	vadd.f32 v14, v2  }
0x4f: {  	s26 =	simm.s32 $0x8;
	v6 =	vadd.s32 v24, v18;
	[tilespmem:v8+s15+$0x0] =	vst.idx.msk $0xffff, v4;
	v4 =	vadd.f32 v15, v2  }
0x50: {  	s3 =	smul.u32 $0x15400, s3;
	v9 =	vmov s26;
	[tilespmem:v11+s15+$0x0] =	vst.idx.msk $0xffff, v3  }
0x51: {  	s6 =	simm.s32 $0x9;
	v7 =	vshrl.u32 v9, $0x3;
	[tilespmem:v5+s15+$0x0] =	vst.idx.msk $0xffff, v4  }
0x52: {  	s14 =	simm.s32 $0xC;
	s7 =	simm.s32 $0xA;
	v34 =	vmov s6;
	s3 =	sshrl.u32 s3, $0x2;
	v13 =	vadd.s32 v0, v10;
	v10 =	vadd.f32 v16, v2;
	[tilespmem:$0x1FDC0] =	vst v7  }
0x53: {  	s11 =	simm.s32 $0xB;
	s6 =	simm.s32 $0xF;
	s21 =	sadd.s32 $0xA500, s3;
	[tilespmem:$0x1FDD0] =	vst v34  }
0x54: {  	s3 =	simm.s32 $0xD;
	s22 =	sadd.s32 $0x45F0, s1;
	s23 =	sadd.s32 $0x45E0, s1;
	v17 =	vmov s11;
	v63 =	vadd.f32 v63, v2;
	[tilespmem:v6+s15+$0x0] =	vst.idx.msk $0xffff, v10  }
0x55: {  	s25 =	sadd.s32 $0x35F0, s1;
	s28 =	sadd.s32 $0x25F0, s1;
	s11 =	simm.s32 $0xE;
	v15 =	vmov s7;
	v8 =	vmov s3;
	v3 =	vmov s14;
	[tilespmem:$0x1FDE0] =	vst v17  }
0x56: {  	s29 =	sadd.s32 $0x25E0, s1;
	s30 =	sadd.s32 $0x15F0, s1;
	s31 =	sadd.s32 $0x15E0, s1;
	v9 =	vshll.u32 v7, v1;
	v4 =	vshrl.u32 v34, $0x3;
	v11 =	vmov s11;
	[tilespmem:$0x1FDF0] =	vst v3  }
0x57: {  	s26 =	sadd.s32 $0x35E0, s1;
	s1 =	sor.u32 $0x590, s1;
	s14 =	simm.s32 $0x10;
	v34 =	vmovc v15;
	v5 =	vshrl.u32 v3, $0x3;
	v10 =	vshrl.u32 v15, $0x3;
	v6 =	vshrl.u32 v17, $0x3;
	[tilespmem:v13+s15+$0x0] =	vst.idx.msk $0xffff, v63  }
.LBB2_3:
0x58: {  	p1 =	slt.u32 s14, $0x78;
	v8 =	vshrl.u32 v8, $0x3;
	v11 =	vshrl.u32 v11, $0x3;
	v13 =	vmov s6  }
0x59: {  	v9 =	vadd.s32 v61, v9;
	v4 =	vshll.u32 v4, v1;
	v13 =	vshrl.u32 v13, $0x3  }
0x5a: {  	v10 =	vshll.u32 v10, v1;
	v6 =	vshll.u32 v6, v1;
	v13 =	vshll.u32 v13, v1  }
0x5b: {  	v5 =	vshll.u32 v5, v1;
	s13 =	sadd.s32 $0x100, s13;
	v8 =	vshll.u32 v8, v1;
	v13 =	vadd.s32 v61, v13  }
0x5c: {  	v4 =	vadd.s32 v61, v4;
	v11 =	vshll.u32 v11, v1;
	v14 =	vld [tilespmem:s13+$0x60];
	v13 =	vbroadcast v13, $0x0  }
0x5d: {  	v10 =	vadd.s32 v61, v10;
	v6 =	vadd.s32 v61, v6;
	v4 =	vbroadcast v4, $0x0;
	v15 =	vld [tilespmem:s13+$0xFFFFFFA0]  }
0x5e: {  	v5 =	vadd.s32 v61, v5;
	v10 =	vbroadcast v10, $0x0;
	v16 =	vld [tilespmem:s13+$0xFFFFFFC0];
	v13 =	vadd.s32 v25, v13  }
0x5f: {  	v6 =	vbroadcast v6, $0x0;
	v8 =	vadd.s32 v61, v8;
	v4 =	vadd.s32 v19, v4;
	v63 =	vld [tilespmem:s13+$0xFFFFFFE0]  }
0x60: {  	v5 =	vbroadcast v5, $0x0;
	v11 =	vadd.s32 v61, v11;
	v10 =	vadd.s32 v20, v10;
	v7 =	vld [tilespmem:s13+$0x0]  }
0x61: {  	v8 =	vbroadcast v8, $0x0;
	v6 =	vadd.s32 v21, v6;
	v12 =	vld [tilespmem:s13+$0x20];
	v14 =	vadd.f32 v14, v2  }
0x62: {  	v11 =	vbroadcast v11, $0x0;
	v5 =	vadd.s32 v22, v5;
	v15 =	vadd.f32 v15, v2;
	v3 =	vld [tilespmem:s13+$0x40]  }
0x63: {  	v9 =	vbroadcast v9, $0x0;
	v18 =	vadd.s32 v23, v8;
	v17 =	vld [tilespmem:s13+$0xFFFFFF80];
	v16 =	vadd.f32 v16, v2;
	[tilespmem:v13+s15+$0x0] =	vst.idx.msk $0xffff, v14  }
0x64: {  	v13 =	vadd.s32 v24, v11;
	[tilespmem:v4+s15+$0x0] =	vst.idx.msk $0xffff, v15;
	v4 =	vadd.f32 v63, v2  }
0x65: {  	s6 =	sadd.s32 $0x1, s14;
	v8 =	vmov s14;
	v14 =	vadd.s32 v0, v9;
	[tilespmem:v10+s15+$0x0] =	vst.idx.msk $0xffff, v16;
	v7 =	vadd.f32 v7, v2  }
.Ltmp0:
0x66: {  	s7 =	sadd.s32 $0x3, s14;
	v9 =	vshrl.u32 v8, $0x3;
	v10 =	vmov s6;
	s6 =	sadd.s32 $0x2, s14;
	[tilespmem:v6+s15+$0x0] =	vst.idx.msk $0xffff, v4;
	v4 =	vadd.f32 v12, v2;
	(pc) =	sbr.rel @p1 .LBB2_3-.Ltmp0, $4  }
0x67: {  	v6 =	vmov s6;
	v12 =	vmov s7;
	s6 =	sadd.s32 $0x4, s14;
	s7 =	sadd.s32 $0x5, s14;
	[tilespmem:v5+s15+$0x0] =	vst.idx.msk $0xffff, v7;
	v3 =	vadd.f32 v3, v2  }
0x68: {  	v5 =	vmov s6;
	v8 =	vmov s7;
	s6 =	sadd.s32 $0x6, s14;
	v7 =	vadd.f32 v17, v2;
	[tilespmem:v18+s15+$0x0] =	vst.idx.msk $0xffff, v4  }
0x69: {  	v9 =	vshll.u32 v9, v1;
	v4 =	vshrl.u32 v10, $0x3;
	v11 =	vmov s6;
	[tilespmem:v13+s15+$0x0] =	vst.idx.msk $0xffff, v3  }
0x6a: {  	v10 =	vshrl.u32 v6, $0x3;
	v6 =	vshrl.u32 v12, $0x3;
	v5 =	vshrl.u32 v5, $0x3;
	s6 =	sadd.s32 $0x7, s14;
	s14 =	sadd.s32 $0x8, s14;
	[tilespmem:v14+s15+$0x0] =	vst.idx.msk $0xffff, v7  }
0x6b: {  	v3 =	vshrl.u32 v8, $0x3;
	v7 =	vshrl.u32 v11, $0x3;
	v8 =	vmov s6  }
0x6c: {  	v9 =	vadd.s32 v61, v9;
	v4 =	vshll.u32 v4, v1;
	v10 =	vshll.u32 v10, v1  }
0x6d: {  	v6 =	vshll.u32 v6, v1;
	v5 =	vshll.u32 v5, v1;
	v8 =	vshrl.u32 v8, $0x3  }
0x6e: {  	s14 =	sadd.s32 $0x100, s13;
	v3 =	vshll.u32 v3, v1;
	v4 =	vadd.s32 v61, v4;
	v7 =	vshll.u32 v7, v1  }
0x6f: {  	v12 =	vld [tilespmem:s14+$0xFFFFFFA0];
	v10 =	vadd.s32 v61, v10;
	v8 =	vshll.u32 v8, v1;
	v4 =	vbroadcast v4, $0x0  }
0x70: {  	v6 =	vadd.s32 v61, v6;
	v13 =	vld [tilespmem:s14+$0xFFFFFFC0];
	v10 =	vbroadcast v10, $0x0;
	v8 =	vadd.s32 v61, v8  }
0x71: {  	v11 =	vld [tilespmem:s14+$0x60];
	v5 =	vadd.s32 v61, v5;
	v8 =	vbroadcast v8, $0x0;
	v4 =	vadd.s32 v19, v4  }
0x72: {  	v14 =	vld [tilespmem:s14+$0xFFFFFFE0];
	v6 =	vbroadcast v6, $0x0;
	v3 =	vadd.s32 v61, v3;
	v10 =	vadd.s32 v20, v10  }
0x73: {  	v15 =	vld [tilespmem:s14+$0x0];
	v5 =	vbroadcast v5, $0x0;
	v7 =	vadd.s32 v61, v7;
	v8 =	vadd.s32 v25, v8  }
0x74: {  	v16 =	vld [tilespmem:s14+$0x20];
	v3 =	vbroadcast v3, $0x0;
	v6 =	vadd.s32 v21, v6;
	v12 =	vadd.f32 v12, v2  }
0x75: {  	v17 =	vld [tilespmem:s14+$0x40];
	v7 =	vbroadcast v7, $0x0;
	v5 =	vadd.s32 v22, v5;
	v13 =	vadd.f32 v13, v2  }
0x76: {  	v18 =	vld [tilespmem:s14+$0xFFFFFF80];
	v9 =	vbroadcast v9, $0x0;
	v3 =	vadd.s32 v23, v3;
	v11 =	vadd.f32 v11, v2;
	[tilespmem:v4+s15+$0x0] =	vst.idx.msk $0xffff, v12  }
0x77: {  	v7 =	vadd.s32 v24, v7;
	v4 =	vadd.f32 v14, v2;
	[tilespmem:v10+s15+$0x0] =	vst.idx.msk $0xffff, v13  }
0x78: {  	[tilespmem:v8+s15+$0x0] =	vst.idx.msk $0xffff, v11;
	v8 =	vadd.s32 v0, v9;
	v9 =	vadd.f32 v15, v2  }
0x79: {  	[tilespmem:v6+s15+$0x0] =	vst.idx.msk $0xffff, v4;
	v4 =	vadd.f32 v16, v2  }
0x7a: {  	[tilespmem:v5+s15+$0x0] =	vst.idx.msk $0xffff, v9;
	v5 =	vadd.f32 v17, v2  }
0x7b: {  	v2 =	vadd.f32 v18, v2;
	[tilespmem:v3+s15+$0x0] =	vst.idx.msk $0xffff, v4  }
0x7c: {  	[tilespmem:v7+s15+$0x0] =	vst.idx.msk $0xffff, v5  }
0x7d: {  	[tilespmem:v8+s15+$0x0] =	vst.idx.msk $0xffff, v2  }
0x7e: {  	v29 =	vld [tilespmem:$0x1FF50]  }
0x7f: {  	v63 =	vld [tilespmem:$0x1FE10]  }
0x80: {  	v2 =	vld [tilespmem:s1+$0x60]  }
0x81: {  	v3 =	vld [tilespmem:s1+$0xFFFFFFA0]  }
0x82: {  	v4 =	vld [tilespmem:s1+$0xFFFFFFC0]  }
0x83: {  	v8 =	vadd.s32 v26, v31;
	v31 =	vld [tilespmem:$0x1FF30];
	v5 =	vadd.s32 v29, v27  }
0x84: {  	v6 =	vadd.s32 v63, v30;
	v27 =	vld [tilespmem:$0x1FF10]  }
0x85: {  	v30 =	vld [tilespmem:$0x1FF20]  }
0x86: {  	v15 =	vld [tilespmem:$0x1FD90];
	v2 =	vadd.f32 v2, v62  }
0x87: {  	v7 =	vld [tilespmem:s1+$0xFFFFFFE0];
	v3 =	vadd.f32 v3, v62  }
0x88: {  	v9 =	vld [tilespmem:s1+$0x0];
	[tilespmem:v5+s15+$0x0] =	vst.idx.msk $0xffff, v2  }
0x89: {  	v11 =	vld [tilespmem:s1+$0x20];
	v10 =	vadd.s32 v27, v33;
	[tilespmem:v6+s15+$0x0] =	vst.idx.msk $0xffff, v3  }
0x8a: {  	v22 =	vadd.s32 v30, v35;
	v35 =	vld [tilespmem:$0x1FF40]  }
0x8b: {  	v4 =	vadd.f32 v4, v62;
	v15 =	vadd.s32 v31, v15;
	v3 =	vld [tilespmem:$0x1FDA0]  }
0x8c: {  	v2 =	vadd.f32 v7, v62;
	v18 =	vld [tilespmem:$0x1FE00]  }
0x8d: {  	v5 =	vld [tilespmem:$0x1FDB0];
	[tilespmem:v8+s15+$0x0] =	vst.idx.msk $0xffff, v4;
	v4 =	vadd.f32 v9, v62  }
0x8e: {  	[tilespmem:v10+s15+$0x0] =	vst.idx.msk $0xffff, v2;
	v2 =	vadd.f32 v11, v62  }
0x8f: {  	[tilespmem:v22+s15+$0x0] =	vst.idx.msk $0xffff, v4  }
0x90: {  	[tilespmem:v15+s15+$0x0] =	vst.idx.msk $0xffff, v2  }
0x91: {  	v2 =	vld [tilespmem:$0x1FDC0];
	_ =	sdelay $0x1  }
0x92: {  	v13 =	vld [tilespmem:s1+$0x40];
	_ =	sdelay $0x1  }
0x93: {  	v3 =	vadd.s32 v35, v3  }
0x94: {  	v16 =	vadd.s32 v18, v5;
	v5 =	vshll.u32 v2, v1;
	v2 =	vld [tilespmem:$0x1FDD0];
	_ =	sdelay $0x1  }
0x95: {  	v7 =	vadd.f32 v13, v62;
	_ =	sdelay $0x1  }
0x96: {  	[tilespmem:v3+s15+$0x0] =	vst.idx.msk $0xffff, v7  }
0x97: {  	v6 =	vshrl.u32 v2, $0x3;
	v2 =	vld [tilespmem:$0x1FDE0];
	_ =	sdelay $0x2  }
0x98: {  	v23 =	vld [tilespmem:s1+$0xFFFFFF80];
	_ =	sdelay $0x1  }
0x99: {  	v8 =	vshrl.u32 v2, $0x3;
	v2 =	vld [tilespmem:$0x1FDF0];
	_ =	sdelay $0x2  }
0x9a: {  	v10 =	vadd.f32 v23, v62  }
0x9b: {  	v9 =	vmov s11  }
0x9c: {  	s6 =	simm.s32 $0xF;
	v17 =	vmovc v26;
	v4 =	vmov s3;
	s3 =	simm.s32 $0x10;
	v7 =	vshrl.u32 v34, $0x3;
	[tilespmem:v16+s15+$0x0] =	vst.idx.msk $0xffff, v10;
	v2 =	vshrl.u32 v2, $0x3  }
.LBB2_5:
0x9d: {  	p1 =	slt.u32 s3, $0x78;
	v3 =	vshrl.u32 v4, $0x3;
	v4 =	vshrl.u32 v9, $0x3;
	v9 =	vmov s6  }
0x9e: {  	v5 =	vadd.s32 v61, v5;
	v6 =	vshll.u32 v6, v1;
	v9 =	vshrl.u32 v9, $0x3  }
0x9f: {  	v7 =	vshll.u32 v7, v1;
	v8 =	vshll.u32 v8, v1;
	v9 =	vshll.u32 v9, v1  }
0xa0: {  	v2 =	vshll.u32 v2, v1;
	s1 =	sadd.s32 $0x100, s1;
	v3 =	vshll.u32 v3, v1;
	v9 =	vadd.s32 v61, v9  }
0xa1: {  	v6 =	vadd.s32 v61, v6;
	v4 =	vshll.u32 v4, v1;
	v10 =	vld [tilespmem:s1+$0x60];
	v9 =	vbroadcast v9, $0x0  }
0xa2: {  	v7 =	vadd.s32 v61, v7;
	v8 =	vadd.s32 v61, v8;
	v6 =	vbroadcast v6, $0x0;
	v11 =	vld [tilespmem:s1+$0xFFFFFFA0]  }
0xa3: {  	v2 =	vadd.s32 v61, v2;
	v7 =	vbroadcast v7, $0x0;
	v12 =	vld [tilespmem:s1+$0xFFFFFFC0];
	v9 =	vadd.s32 v29, v9  }
0xa4: {  	v8 =	vbroadcast v8, $0x0;
	v3 =	vadd.s32 v61, v3;
	v6 =	vadd.s32 v63, v6;
	v13 =	vld [tilespmem:s1+$0xFFFFFFE0]  }
0xa5: {  	v2 =	vbroadcast v2, $0x0;
	v4 =	vadd.s32 v61, v4;
	v7 =	vadd.s32 v17, v7;
	v14 =	vld [tilespmem:s1+$0x0]  }
0xa6: {  	v3 =	vbroadcast v3, $0x0;
	v8 =	vadd.s32 v27, v8;
	v15 =	vld [tilespmem:s1+$0x20];
	v10 =	vadd.f32 v10, v62  }
0xa7: {  	v4 =	vbroadcast v4, $0x0;
	v2 =	vadd.s32 v30, v2;
	v11 =	vadd.f32 v11, v62;
	v16 =	vld [tilespmem:s1+$0x40]  }
0xa8: {  	v5 =	vbroadcast v5, $0x0;
	v3 =	vadd.s32 v31, v3;
	v17 =	vld [tilespmem:s1+$0xFFFFFF80];
	v12 =	vadd.f32 v12, v62;
	[tilespmem:v9+s15+$0x0] =	vst.idx.msk $0xffff, v10  }
0xa9: {  	v10 =	vadd.s32 v35, v4;
	[tilespmem:v6+s15+$0x0] =	vst.idx.msk $0xffff, v11;
	v6 =	vadd.f32 v13, v62  }
0xaa: {  	s6 =	sadd.s32 $0x1, s3;
	v4 =	vmov s3;
	v11 =	vadd.s32 v18, v5;
	[tilespmem:v7+s15+$0x0] =	vst.idx.msk $0xffff, v12;
	v5 =	vadd.f32 v14, v62  }
.Ltmp1:
0xab: {  	s7 =	sadd.s32 $0x3, s3;
	v9 =	vmov s6;
	s6 =	sadd.s32 $0x2, s3;
	v7 =	vshrl.u32 v4, $0x3;
	[tilespmem:v8+s15+$0x0] =	vst.idx.msk $0xffff, v6;
	v6 =	vadd.f32 v15, v62;
	(pc) =	sbr.rel @p1 .LBB2_5-.Ltmp1, $4  }
0xac: {  	v12 =	vmov s7;
	s7 =	sadd.s32 $0x5, s3;
	v8 =	vmov s6;
	s6 =	sadd.s32 $0x4, s3;
	[tilespmem:v2+s15+$0x0] =	vst.idx.msk $0xffff, v5;
	v2 =	vadd.f32 v16, v62  }
0xad: {  	v4 =	vmov s7;
	v13 =	vmov s6;
	s6 =	sadd.s32 $0x6, s3;
	v14 =	vadd.f32 v17, v62;
	v17 =	vmovc v26;
	[tilespmem:v3+s15+$0x0] =	vst.idx.msk $0xffff, v6  }
0xae: {  	v5 =	vshll.u32 v7, v1;
	v6 =	vshrl.u32 v9, $0x3;
	v9 =	vmov s6;
	[tilespmem:v10+s15+$0x0] =	vst.idx.msk $0xffff, v2  }
0xaf: {  	v7 =	vshrl.u32 v8, $0x3;
	v8 =	vshrl.u32 v12, $0x3;
	s6 =	sadd.s32 $0x7, s3;
	s3 =	sadd.s32 $0x8, s3;
	v2 =	vshrl.u32 v13, $0x3;
	[tilespmem:v11+s15+$0x0] =	vst.idx.msk $0xffff, v14  }
0xb0: {  	v3 =	vshrl.u32 v4, $0x3;
	v4 =	vshrl.u32 v9, $0x3;
	v9 =	vmov s6  }
0xb1: {  	v5 =	vadd.s32 v61, v5;
	v6 =	vshll.u32 v6, v1;
	v7 =	vshll.u32 v7, v1  }
0xb2: {  	v8 =	vshll.u32 v8, v1;
	v2 =	vshll.u32 v2, v1;
	v9 =	vshrl.u32 v9, $0x3  }
0xb3: {  	s1 =	sadd.s32 $0x100, s1;
	v3 =	vshll.u32 v3, v1;
	v6 =	vadd.s32 v61, v6;
	v4 =	vshll.u32 v4, v1  }
0xb4: {  	v11 =	vld [tilespmem:s1+$0xFFFFFFA0];
	v7 =	vadd.s32 v61, v7;
	v8 =	vadd.s32 v61, v8;
	v6 =	vbroadcast v6, $0x0  }
0xb5: {  	v12 =	vld [tilespmem:s1+$0xFFFFFFC0];
	v9 =	vshll.u32 v9, v1;
	v7 =	vbroadcast v7, $0x0;
	v3 =	vadd.s32 v61, v3  }
0xb6: {  	v15 =	vld [tilespmem:s1+$0x20];
	v9 =	vadd.s32 v61, v9;
	v3 =	vbroadcast v3, $0x0;
	v6 =	vadd.s32 v63, v6  }
0xb7: {  	v10 =	vld [tilespmem:s1+$0x60];
	v4 =	vadd.s32 v61, v4;
	v9 =	vbroadcast v9, $0x0;
	v7 =	vadd.s32 v17, v7  }
0xb8: {  	v2 =	vadd.s32 v61, v2;
	v16 =	vld [tilespmem:s1+$0x40];
	v4 =	vbroadcast v4, $0x0;
	v3 =	vadd.s32 v31, v3  }
0xb9: {  	v23 =	vld [tilespmem:s1+$0xFFFFFF80];
	v5 =	vbroadcast v5, $0x0;
	v9 =	vadd.s32 v29, v9;
	v11 =	vadd.f32 v11, v62  }
0xba: {  	v13 =	vld [tilespmem:s1+$0xFFFFFFE0];
	v8 =	vbroadcast v8, $0x0;
	v4 =	vadd.s32 v35, v4;
	v12 =	vadd.f32 v12, v62  }
0xbb: {  	v14 =	vld [tilespmem:s1+$0x0];
	v2 =	vbroadcast v2, $0x0;
	v5 =	vadd.s32 v18, v5;
	v33 =	vadd.f32 v15, v62;
	[tilespmem:v6+s15+$0x0] =	vst.idx.msk $0xffff, v11  }
0xbc: {  	v8 =	vadd.s32 v27, v8;
	v10 =	vadd.f32 v10, v62;
	[tilespmem:v7+s15+$0x0] =	vst.idx.msk $0xffff, v12  }
0xbd: {  	v2 =	vadd.s32 v30, v2;
	v6 =	vadd.f32 v16, v62;
	[tilespmem:v3+s15+$0x0] =	vst.idx.msk $0xffff, v33  }
0xbe: {  	s3 =	simm.s32 $0x0;
	s13 =	simm.s32 $0x5;
	v11 =	vadd.f32 v23, v62;
	[tilespmem:v9+s15+$0x0] =	vst.idx.msk $0xffff, v10  }
0xbf: {  	s6 =	simm.s32 $0x1;
	v34 =	vmov s3;
	s3 =	simm.s32 $0x2;
	v63 =	vmov s13;
	v9 =	vadd.f32 v13, v62;
	[tilespmem:v4+s15+$0x0] =	vst.idx.msk $0xffff, v6  }
0xc0: {  	v35 =	vmov s6;
	v10 =	vadd.f32 v14, v62;
	v62 =	vmov s3;
	[tilespmem:v5+s15+$0x0] =	vst.idx.msk $0xffff, v11  }
0xc1: {  	s7 =	simm.s32 $0x3;
	s11 =	simm.s32 $0x4;
	v7 =	vshrl.u32 v34, $0x3;
	v4 =	vshrl.u32 v63, $0x3;
	v3 =	vshrl.u32 v62, $0x3;
	[tilespmem:v8+s15+$0x0] =	vst.idx.msk $0xffff, v9  }
0xc2: {  	s14 =	simm.s32 $0x6;
	v8 =	vmov s7;
	v9 =	vmov s11;
	[tilespmem:v2+s15+$0x0] =	vst.idx.msk $0xffff, v10;
	v2 =	vshll.u32 v7, v1  }
0xc3: {  	v7 =	vshrl.u32 v35, $0x3;
	v10 =	vmov s14;
	v5 =	vadd.s32 v61, v2;
	v2 =	vld [tilespmem:s24+$0x14F20]  }
0xc4: {  	s3 =	simm.s32 $0x7;
	v3 =	vshll.u32 v3, v1;
	v8 =	vshrl.u32 v8, $0x3;
	v9 =	vshrl.u32 v9, $0x3;
	v11 =	vld [tilespmem:s31+$0x0]  }
0xc5: {  	v6 =	vshrl.u32 v10, $0x3;
	v10 =	vmov s3;
	v7 =	vshll.u32 v7, v1;
	v33 =	vld [tilespmem:s31+$0xFFFFFF60]  }
0xc6: {  	v3 =	vadd.s32 v61, v3;
	v28 =	vld [tilespmem:$0x1FE30];
	v10 =	vshrl.u32 v10, $0x3;
	v8 =	vshll.u32 v8, v1  }
0xc7: {  	v29 =	vld [tilespmem:$0x1FE20];
	v9 =	vshll.u32 v9, v1;
	v7 =	vadd.s32 v61, v7;
	v10 =	vshll.u32 v10, v1  }
0xc8: {  	v30 =	vld [tilespmem:$0x1FF70];
	v6 =	vshll.u32 v6, v1;
	v19 =	vbroadcast v7, $0x0;
	v10 =	vadd.s32 v61, v10  }
0xc9: {  	v27 =	vld [tilespmem:$0x1FF80];
	v20 =	vbroadcast v3, $0x0;
	v3 =	vadd.s32 v61, v9;
	v18 =	vbroadcast v10, $0x0  }
0xca: {  	v7 =	vadd.s32 v61, v8;
	v22 =	vbroadcast v3, $0x0;
	v3 =	vadd.s32 v61, v6;
	v10 =	vld [tilespmem:s31+$0xFFFFFF40];
	[tilespmem:$0x1FCD0] =	vst v19  }
0xcb: {  	v21 =	vbroadcast v7, $0x0;
	v8 =	vbroadcast v3, $0x0;
	v3 =	vadd.f32 v33, v2;
	v33 =	vld [tilespmem:$0x1FF90];
	[tilespmem:$0x1FCC0] =	vst v18  }
0xcc: {  	v4 =	vshll.u32 v4, v1;
	v9 =	vadd.s32 v28, v18;
	v13 =	vld [tilespmem:s31+$0xFFFFFF80];
	[tilespmem:$0x1FCE0] =	vst v20  }
0xcd: {  	v4 =	vadd.s32 v61, v4;
	v34 =	vadd.s32 v29, v19;
	v14 =	vld [tilespmem:s31+$0xFFFFFFA0];
	[tilespmem:$0x1FCF0] =	vst v21  }
0xce: {  	v31 =	vbroadcast v4, $0x0;
	v23 =	vld [tilespmem:s31+$0xFFFFFFC0];
	[tilespmem:$0x1FD00] =	vst v22  }
0xcf: {  	v4 =	vadd.f32 v11, v2;
	v16 =	vld [tilespmem:s31+$0xFFFFFFE0]  }
0xd0: {  	v7 =	vadd.s32 v30, v20;
	v10 =	vadd.f32 v10, v2;
	v20 =	vld [tilespmem:s31+$0xFFFFFF20];
	[tilespmem:$0x1FD10] =	vst v31  }
0xd1: {  	v62 =	vld [tilespmem:s24+$0x14F30];
	[tilespmem:v9+s15+$0x0] =	vst.idx.msk $0xffff, v4  }
0xd2: {  	[tilespmem:v34+s15+$0x0] =	vst.idx.msk $0xffff, v10  }
0xd3: {  	v6 =	vadd.s32 v32, v21;
	v34 =	vld [tilespmem:$0x1FFA0]  }
0xd4: {  	v11 =	vadd.s32 v27, v22;
	v21 =	vbroadcast v5, $0x0  }
0xd5: {  	v5 =	vadd.s32 v33, v31;
	[tilespmem:$0x1FD20] =	vst v8  }
0xd6: {  	v4 =	vadd.f32 v13, v2;
	[tilespmem:$0x1FD30] =	vst v21  }
0xd7: {  	v31 =	vld [tilespmem:$0x1FF60];
	[tilespmem:v7+s15+$0x0] =	vst.idx.msk $0xffff, v3;
	v3 =	vadd.f32 v14, v2  }
0xd8: {  	[tilespmem:v6+s15+$0x0] =	vst.idx.msk $0xffff, v4;
	v4 =	vadd.f32 v23, v2;
	v9 =	vadd.s32 v34, v8  }
0xd9: {  	s6 =	simm.s32 $0x8;
	s7 =	simm.s32 $0x9;
	[tilespmem:v11+s15+$0x0] =	vst.idx.msk $0xffff, v3  }
0xda: {  	v10 =	vmov s7;
	[tilespmem:v5+s15+$0x0] =	vst.idx.msk $0xffff, v4;
	v8 =	vmov s6  }
0xdb: {  	v6 =	vadd.f32 v16, v2;
	[tilespmem:$0x1FD50] =	vst v10;
	v7 =	vshrl.u32 v8, $0x3  }
0xdc: {  	s11 =	simm.s32 $0xA;
	v12 =	vadd.s32 v31, v21;
	[tilespmem:$0x1FD40] =	vst v7  }
0xdd: {  	s13 =	simm.s32 $0xB;
	v22 =	vmov s11;
	[tilespmem:v9+s15+$0x0] =	vst.idx.msk $0xffff, v6  }
0xde: {  	s14 =	simm.s32 $0xC;
	s3 =	simm.s32 $0xE;
	v23 =	vmov s13;
	[tilespmem:$0x1FD60] =	vst v22  }
0xdf: {  	s1 =	simm.s32 $0xD;
	v3 =	vmov s14;
	v35 =	vadd.f32 v20, v2;
	v11 =	vmov s3;
	[tilespmem:$0x1FD70] =	vst v23  }
0xe0: {  	v5 =	vshrl.u32 v10, $0x3;
	v10 =	vshrl.u32 v22, $0x3;
	v8 =	vmov s1;
	[tilespmem:$0x1FD80] =	vst v3  }
0xe1: {  	v63 =	vmovc v32;
	s11 =	simm.s32 $0x10;
	s6 =	simm.s32 $0xF;
	v4 =	vshll.u32 v7, v1;
	v6 =	vshrl.u32 v23, $0x3;
	v9 =	vshrl.u32 v3, $0x3;
	[tilespmem:v12+s15+$0x0] =	vst.idx.msk $0xffff, v35  }
.LBB2_7:
0xe2: {  	p1 =	slt.u32 s11, $0x78;
	v8 =	vshrl.u32 v8, $0x3;
	v11 =	vshrl.u32 v11, $0x3;
	v12 =	vmov s6  }
0xe3: {  	v4 =	vadd.s32 v61, v4;
	v5 =	vshll.u32 v5, v1;
	v12 =	vshrl.u32 v12, $0x3  }
0xe4: {  	v10 =	vshll.u32 v10, v1;
	v6 =	vshll.u32 v6, v1;
	v12 =	vshll.u32 v12, v1  }
0xe5: {  	v9 =	vshll.u32 v9, v1;
	s31 =	sadd.s32 $0x100, s31;
	v8 =	vshll.u32 v8, v1;
	v12 =	vadd.s32 v61, v12  }
0xe6: {  	v5 =	vadd.s32 v61, v5;
	v11 =	vshll.u32 v11, v1;
	v13 =	vld [tilespmem:s31+$0x0];
	v12 =	vbroadcast v12, $0x0  }
0xe7: {  	v10 =	vadd.s32 v61, v10;
	v6 =	vadd.s32 v61, v6;
	v5 =	vbroadcast v5, $0x0;
	v14 =	vld [tilespmem:s31+$0xFFFFFF40]  }
0xe8: {  	v9 =	vadd.s32 v61, v9;
	v10 =	vbroadcast v10, $0x0;
	v15 =	vld [tilespmem:s31+$0xFFFFFF60];
	v12 =	vadd.s32 v28, v12  }
0xe9: {  	v6 =	vbroadcast v6, $0x0;
	v8 =	vadd.s32 v61, v8;
	v5 =	vadd.s32 v29, v5;
	v16 =	vld [tilespmem:s31+$0xFFFFFF80]  }
0xea: {  	v9 =	vbroadcast v9, $0x0;
	v11 =	vadd.s32 v61, v11;
	v10 =	vadd.s32 v30, v10;
	v17 =	vld [tilespmem:s31+$0xFFFFFFA0]  }
0xeb: {  	v8 =	vbroadcast v8, $0x0;
	v6 =	vadd.s32 v63, v6;
	v18 =	vld [tilespmem:s31+$0xFFFFFFC0];
	v13 =	vadd.f32 v13, v2  }
0xec: {  	v11 =	vbroadcast v11, $0x0;
	v9 =	vadd.s32 v27, v9;
	v14 =	vadd.f32 v14, v2;
	v7 =	vld [tilespmem:s31+$0xFFFFFFE0]  }
0xed: {  	v4 =	vbroadcast v4, $0x0;
	v3 =	vadd.s32 v33, v8;
	v63 =	vld [tilespmem:s31+$0xFFFFFF20];
	v15 =	vadd.f32 v15, v2;
	[tilespmem:v12+s15+$0x0] =	vst.idx.msk $0xffff, v13  }
0xee: {  	v12 =	vadd.s32 v34, v11;
	[tilespmem:v5+s15+$0x0] =	vst.idx.msk $0xffff, v14;
	v5 =	vadd.f32 v16, v2  }
0xef: {  	s6 =	sadd.s32 $0x1, s11;
	v8 =	vmov s11;
	v13 =	vadd.s32 v31, v4;
	[tilespmem:v10+s15+$0x0] =	vst.idx.msk $0xffff, v15;
	v4 =	vadd.f32 v17, v2  }
.Ltmp2:
0xf0: {  	s7 =	sadd.s32 $0x3, s11;
	v11 =	vmov s6;
	s6 =	sadd.s32 $0x2, s11;
	v10 =	vshrl.u32 v8, $0x3;
	[tilespmem:v6+s15+$0x0] =	vst.idx.msk $0xffff, v5;
	v5 =	vadd.f32 v18, v2;
	(pc) =	sbr.rel @p1 .LBB2_7-.Ltmp2, $4  }
0xf1: {  	v14 =	vmov s7;
	s7 =	sadd.s32 $0x5, s11;
	v6 =	vmov s6;
	s6 =	sadd.s32 $0x4, s11;
	[tilespmem:v9+s15+$0x0] =	vst.idx.msk $0xffff, v4;
	v7 =	vadd.f32 v7, v2  }
0xf2: {  	v8 =	vmov s7;
	v9 =	vmov s6;
	s6 =	sadd.s32 $0x6, s11;
	v15 =	vadd.f32 v63, v2;
	v63 =	vmovc v32;
	[tilespmem:v3+s15+$0x0] =	vst.idx.msk $0xffff, v5  }
0xf3: {  	v4 =	vshll.u32 v10, v1;
	v5 =	vshrl.u32 v11, $0x3;
	v11 =	vmov s6;
	[tilespmem:v12+s15+$0x0] =	vst.idx.msk $0xffff, v7  }
0xf4: {  	v10 =	vshrl.u32 v6, $0x3;
	v6 =	vshrl.u32 v14, $0x3;
	v9 =	vshrl.u32 v9, $0x3;
	s6 =	sadd.s32 $0x7, s11;
	s11 =	sadd.s32 $0x8, s11;
	[tilespmem:v13+s15+$0x0] =	vst.idx.msk $0xffff, v15  }
0xf5: {  	v3 =	vshrl.u32 v8, $0x3;
	v7 =	vshrl.u32 v11, $0x3;
	v8 =	vmov s6  }
0xf6: {  	v4 =	vadd.s32 v61, v4;
	v5 =	vshll.u32 v5, v1;
	v10 =	vshll.u32 v10, v1  }
0xf7: {  	v6 =	vshll.u32 v6, v1;
	v9 =	vshll.u32 v9, v1;
	v8 =	vshrl.u32 v8, $0x3  }
0xf8: {  	s31 =	sadd.s32 $0x100, s31;
	v3 =	vshll.u32 v3, v1;
	v5 =	vadd.s32 v61, v5;
	v7 =	vshll.u32 v7, v1  }
0xf9: {  	v12 =	vld [tilespmem:s31+$0xFFFFFF40];
	v10 =	vadd.s32 v61, v10;
	v8 =	vshll.u32 v8, v1;
	v5 =	vbroadcast v5, $0x0  }
0xfa: {  	v6 =	vadd.s32 v61, v6;
	v13 =	vld [tilespmem:s31+$0xFFFFFF60];
	v10 =	vbroadcast v10, $0x0;
	v8 =	vadd.s32 v61, v8  }
0xfb: {  	v11 =	vld [tilespmem:s31+$0x0];
	v9 =	vadd.s32 v61, v9;
	v8 =	vbroadcast v8, $0x0;
	v5 =	vadd.s32 v29, v5  }
0xfc: {  	v14 =	vld [tilespmem:s31+$0xFFFFFF80];
	v6 =	vbroadcast v6, $0x0;
	v3 =	vadd.s32 v61, v3;
	v10 =	vadd.s32 v30, v10  }
0xfd: {  	v15 =	vld [tilespmem:s31+$0xFFFFFFA0];
	v9 =	vbroadcast v9, $0x0;
	v7 =	vadd.s32 v61, v7;
	v8 =	vadd.s32 v28, v8  }
0xfe: {  	v16 =	vld [tilespmem:s31+$0xFFFFFFC0];
	v3 =	vbroadcast v3, $0x0;
	v6 =	vadd.s32 v63, v6;
	v12 =	vadd.f32 v12, v2  }
0xff: {  	v17 =	vld [tilespmem:s31+$0xFFFFFFE0];
	v7 =	vbroadcast v7, $0x0;
	v9 =	vadd.s32 v27, v9;
	v13 =	vadd.f32 v13, v2  }
0x100: {  	v18 =	vld [tilespmem:s31+$0xFFFFFF20];
	v4 =	vbroadcast v4, $0x0;
	v3 =	vadd.s32 v33, v3;
	v11 =	vadd.f32 v11, v2;
	[tilespmem:v5+s15+$0x0] =	vst.idx.msk $0xffff, v12  }
0x101: {  	v7 =	vadd.s32 v34, v7;
	v5 =	vadd.f32 v14, v2;
	[tilespmem:v10+s15+$0x0] =	vst.idx.msk $0xffff, v13  }
0x102: {  	v4 =	vadd.s32 v31, v4;
	[tilespmem:v8+s15+$0x0] =	vst.idx.msk $0xffff, v11;
	v8 =	vadd.f32 v15, v2  }
0x103: {  	[tilespmem:v6+s15+$0x0] =	vst.idx.msk $0xffff, v5;
	v5 =	vadd.f32 v16, v2  }
0x104: {  	v6 =	vadd.f32 v17, v2;
	[tilespmem:v9+s15+$0x0] =	vst.idx.msk $0xffff, v8  }
0x105: {  	v2 =	vadd.f32 v18, v2;
	[tilespmem:v3+s15+$0x0] =	vst.idx.msk $0xffff, v5  }
0x106: {  	[tilespmem:v7+s15+$0x0] =	vst.idx.msk $0xffff, v6  }
0x107: {  	[tilespmem:v4+s15+$0x0] =	vst.idx.msk $0xffff, v2  }
0x108: {  	v2 =	vld [tilespmem:s30+$0x0]  }
0x109: {  	v3 =	vld [tilespmem:s30+$0xFFFFFF40]  }
0x10a: {  	v27 =	vld [tilespmem:$0x1FFE0]  }
0x10b: {  	v5 =	vld [tilespmem:$0x1FCC0]  }
0x10c: {  	v35 =	vld [tilespmem:$0x1FFC0]  }
0x10d: {  	v6 =	vld [tilespmem:$0x1FCD0]  }
0x10e: {  	v18 =	vld [tilespmem:$0x1FE40]  }
0x10f: {  	v8 =	vld [tilespmem:$0x1FCE0]  }
0x110: {  	v29 =	vld [tilespmem:$0x1FE50]  }
0x111: {  	v10 =	vld [tilespmem:$0x1FCF0]  }
0x112: {  	v34 =	vld [tilespmem:$0x1FE60]  }
0x113: {  	v12 =	vld [tilespmem:$0x1FD00];
	v5 =	vadd.s32 v27, v5  }
0x114: {  	v63 =	vld [tilespmem:$0x1FFD0];
	v6 =	vadd.s32 v35, v6  }
0x115: {  	v33 =	vld [tilespmem:$0x1FD10]  }
0x116: {  	v4 =	vld [tilespmem:s30+$0xFFFFFF60];
	v2 =	vadd.f32 v2, v62  }
0x117: {  	v7 =	vld [tilespmem:s30+$0xFFFFFF80];
	v3 =	vadd.f32 v3, v62  }
0x118: {  	v9 =	vld [tilespmem:s30+$0xFFFFFFA0];
	v8 =	vadd.s32 v18, v8;
	[tilespmem:v5+s15+$0x0] =	vst.idx.msk $0xffff, v2  }
0x119: {  	v11 =	vld [tilespmem:s30+$0xFFFFFFC0];
	v10 =	vadd.s32 v29, v10;
	[tilespmem:v6+s15+$0x0] =	vst.idx.msk $0xffff, v3  }
0x11a: {  	v12 =	vadd.s32 v34, v12;
	v15 =	vadd.s32 v63, v33;
	v33 =	vld [tilespmem:$0x1FE70]  }
0x11b: {  	v4 =	vadd.f32 v4, v62;
	v3 =	vld [tilespmem:$0x1FD20]  }
0x11c: {  	v2 =	vadd.f32 v7, v62;
	v28 =	vld [tilespmem:$0x1FFB0]  }
0x11d: {  	v5 =	vld [tilespmem:$0x1FD30];
	[tilespmem:v8+s15+$0x0] =	vst.idx.msk $0xffff, v4;
	v4 =	vadd.f32 v9, v62  }
0x11e: {  	[tilespmem:v10+s15+$0x0] =	vst.idx.msk $0xffff, v2;
	v2 =	vadd.f32 v11, v62  }
0x11f: {  	[tilespmem:v12+s15+$0x0] =	vst.idx.msk $0xffff, v4  }
0x120: {  	[tilespmem:v15+s15+$0x0] =	vst.idx.msk $0xffff, v2  }
0x121: {  	v2 =	vld [tilespmem:$0x1FD40];
	_ =	sdelay $0x1  }
0x122: {  	v13 =	vld [tilespmem:s30+$0xFFFFFFE0];
	_ =	sdelay $0x1  }
0x123: {  	v3 =	vadd.s32 v33, v3  }
0x124: {  	v16 =	vadd.s32 v28, v5;
	v5 =	vshll.u32 v2, v1;
	v2 =	vld [tilespmem:$0x1FD50];
	_ =	sdelay $0x1  }
0x125: {  	v7 =	vadd.f32 v13, v62;
	_ =	sdelay $0x1  }
0x126: {  	[tilespmem:v3+s15+$0x0] =	vst.idx.msk $0xffff, v7  }
0x127: {  	v6 =	vshrl.u32 v2, $0x3;
	v2 =	vld [tilespmem:$0x1FD60];
	_ =	sdelay $0x4  }
0x128: {  	v7 =	vshrl.u32 v2, $0x3;
	v2 =	vld [tilespmem:$0x1FD70];
	_ =	sdelay $0x2  }
0x129: {  	v23 =	vld [tilespmem:s30+$0xFFFFFF20];
	_ =	sdelay $0x1  }
0x12a: {  	v8 =	vshrl.u32 v2, $0x3;
	v2 =	vld [tilespmem:$0x1FD80];
	_ =	sdelay $0x2  }
0x12b: {  	v10 =	vadd.f32 v23, v62;
	_ =	sdelay $0x1  }
0x12c: {  	v9 =	vmov s3;
	s3 =	simm.s32 $0xF;
	v4 =	vmov s1;
	s1 =	simm.s32 $0x10;
	[tilespmem:v16+s15+$0x0] =	vst.idx.msk $0xffff, v10;
	v2 =	vshrl.u32 v2, $0x3  }
.LBB2_9:
0x12d: {  	p1 =	slt.u32 s1, $0x78;
	v3 =	vshrl.u32 v4, $0x3;
	v4 =	vshrl.u32 v9, $0x3;
	v9 =	vmov s3  }
0x12e: {  	v5 =	vadd.s32 v61, v5;
	v6 =	vshll.u32 v6, v1;
	v9 =	vshrl.u32 v9, $0x3  }
0x12f: {  	v7 =	vshll.u32 v7, v1;
	v8 =	vshll.u32 v8, v1;
	v9 =	vshll.u32 v9, v1  }
0x130: {  	v2 =	vshll.u32 v2, v1;
	s30 =	sadd.s32 $0x100, s30;
	v3 =	vshll.u32 v3, v1;
	v9 =	vadd.s32 v61, v9  }
0x131: {  	v6 =	vadd.s32 v61, v6;
	v4 =	vshll.u32 v4, v1;
	v10 =	vld [tilespmem:s30+$0x0];
	v9 =	vbroadcast v9, $0x0  }
0x132: {  	v7 =	vadd.s32 v61, v7;
	v8 =	vadd.s32 v61, v8;
	v6 =	vbroadcast v6, $0x0;
	v11 =	vld [tilespmem:s30+$0xFFFFFF40]  }
0x133: {  	v2 =	vadd.s32 v61, v2;
	v7 =	vbroadcast v7, $0x0;
	v12 =	vld [tilespmem:s30+$0xFFFFFF60];
	v9 =	vadd.s32 v27, v9  }
0x134: {  	v8 =	vbroadcast v8, $0x0;
	v3 =	vadd.s32 v61, v3;
	v6 =	vadd.s32 v35, v6;
	v13 =	vld [tilespmem:s30+$0xFFFFFF80]  }
0x135: {  	v2 =	vbroadcast v2, $0x0;
	v4 =	vadd.s32 v61, v4;
	v7 =	vadd.s32 v18, v7;
	v14 =	vld [tilespmem:s30+$0xFFFFFFA0]  }
0x136: {  	v3 =	vbroadcast v3, $0x0;
	v8 =	vadd.s32 v29, v8;
	v15 =	vld [tilespmem:s30+$0xFFFFFFC0];
	v10 =	vadd.f32 v10, v62  }
0x137: {  	v4 =	vbroadcast v4, $0x0;
	v2 =	vadd.s32 v34, v2;
	v11 =	vadd.f32 v11, v62;
	v16 =	vld [tilespmem:s30+$0xFFFFFFE0]  }
0x138: {  	v5 =	vbroadcast v5, $0x0;
	v3 =	vadd.s32 v63, v3;
	v17 =	vld [tilespmem:s30+$0xFFFFFF20];
	v12 =	vadd.f32 v12, v62;
	[tilespmem:v9+s15+$0x0] =	vst.idx.msk $0xffff, v10  }
0x139: {  	v10 =	vadd.s32 v33, v4;
	[tilespmem:v6+s15+$0x0] =	vst.idx.msk $0xffff, v11;
	v6 =	vadd.f32 v13, v62  }
0x13a: {  	s3 =	sadd.s32 $0x1, s1;
	v4 =	vmov s1;
	v11 =	vadd.s32 v28, v5;
	[tilespmem:v7+s15+$0x0] =	vst.idx.msk $0xffff, v12;
	v5 =	vadd.f32 v14, v62  }
.Ltmp3:
0x13b: {  	s6 =	sadd.s32 $0x3, s1;
	v9 =	vmov s3;
	s3 =	sadd.s32 $0x2, s1;
	v7 =	vshrl.u32 v4, $0x3;
	[tilespmem:v8+s15+$0x0] =	vst.idx.msk $0xffff, v6;
	v6 =	vadd.f32 v15, v62;
	(pc) =	sbr.rel @p1 .LBB2_9-.Ltmp3, $4  }
0x13c: {  	v12 =	vmov s6;
	s6 =	sadd.s32 $0x5, s1;
	v8 =	vmov s3;
	s3 =	sadd.s32 $0x4, s1;
	[tilespmem:v2+s15+$0x0] =	vst.idx.msk $0xffff, v5;
	v2 =	vadd.f32 v16, v62  }
0x13d: {  	v4 =	vmov s6;
	v13 =	vmov s3;
	s3 =	sadd.s32 $0x6, s1;
	v14 =	vadd.f32 v17, v62;
	[tilespmem:v3+s15+$0x0] =	vst.idx.msk $0xffff, v6  }
0x13e: {  	v5 =	vshll.u32 v7, v1;
	v6 =	vshrl.u32 v9, $0x3;
	v9 =	vmov s3;
	[tilespmem:v10+s15+$0x0] =	vst.idx.msk $0xffff, v2  }
0x13f: {  	v7 =	vshrl.u32 v8, $0x3;
	v8 =	vshrl.u32 v12, $0x3;
	s3 =	sadd.s32 $0x7, s1;
	s1 =	sadd.s32 $0x8, s1;
	v2 =	vshrl.u32 v13, $0x3;
	[tilespmem:v11+s15+$0x0] =	vst.idx.msk $0xffff, v14  }
0x140: {  	v3 =	vshrl.u32 v4, $0x3;
	v4 =	vshrl.u32 v9, $0x3  }
0x141: {  	v9 =	vmov s3;
	v5 =	vadd.s32 v61, v5;
	v6 =	vshll.u32 v6, v1  }
0x142: {  	s1 =	sadd.s32 $0x100, s30;
	v7 =	vshll.u32 v7, v1;
	v8 =	vshll.u32 v8, v1;
	v2 =	vshll.u32 v2, v1  }
0x143: {  	v9 =	vshrl.u32 v9, $0x3;
	v10 =	vld [tilespmem:s1+$0x0];
	v3 =	vshll.u32 v3, v1;
	v6 =	vadd.s32 v61, v6  }
0x144: {  	v11 =	vld [tilespmem:s1+$0xFFFFFF40];
	v4 =	vshll.u32 v4, v1;
	v7 =	vadd.s32 v61, v7;
	v8 =	vadd.s32 v61, v8  }
0x145: {  	v12 =	vld [tilespmem:s1+$0xFFFFFF60];
	v2 =	vadd.s32 v61, v2;
	v9 =	vshll.u32 v9, v1;
	v6 =	vbroadcast v6, $0x0  }
0x146: {  	v13 =	vld [tilespmem:s1+$0xFFFFFF80];
	v5 =	vbroadcast v5, $0x0;
	v7 =	vbroadcast v7, $0x0;
	v9 =	vadd.s32 v61, v9  }
0x147: {  	v14 =	vld [tilespmem:s1+$0xFFFFFFA0];
	v3 =	vadd.s32 v61, v3;
	v9 =	vbroadcast v9, $0x0;
	v6 =	vadd.s32 v35, v6  }
0x148: {  	v15 =	vld [tilespmem:s1+$0xFFFFFFC0];
	v8 =	vbroadcast v8, $0x0;
	v3 =	vbroadcast v3, $0x0;
	v7 =	vadd.s32 v18, v7  }
0x149: {  	v16 =	vld [tilespmem:s1+$0xFFFFFFE0];
	v2 =	vbroadcast v2, $0x0;
	v4 =	vadd.s32 v61, v4;
	v9 =	vadd.s32 v27, v9  }
0x14a: {  	v17 =	vld [tilespmem:s1+$0xFFFFFF20];
	v4 =	vbroadcast v4, $0x0;
	v3 =	vadd.s32 v63, v3;
	v11 =	vadd.f32 v11, v62  }
0x14b: {  	v5 =	vadd.s32 v28, v5;
	v8 =	vadd.s32 v29, v8;
	v12 =	vadd.f32 v12, v62  }
0x14c: {  	s11 =	simm.s32 $0x0;
	v2 =	vadd.s32 v34, v2;
	v10 =	vadd.f32 v10, v62;
	[tilespmem:v6+s15+$0x0] =	vst.idx.msk $0xffff, v11  }
0x14d: {  	s13 =	simm.s32 $0x1;
	v34 =	vmov s11;
	v4 =	vadd.s32 v33, v4;
	v33 =	vadd.f32 v15, v62;
	[tilespmem:v7+s15+$0x0] =	vst.idx.msk $0xffff, v12  }
0x14e: {  	s14 =	simm.s32 $0x2;
	v35 =	vmov s13;
	v6 =	vadd.f32 v16, v62;
	[tilespmem:v9+s15+$0x0] =	vst.idx.msk $0xffff, v10;
	v9 =	vadd.f32 v13, v62  }
0x14f: {  	s6 =	simm.s32 $0x5;
	v11 =	vadd.f32 v17, v62;
	[tilespmem:v3+s15+$0x0] =	vst.idx.msk $0xffff, v33;
	v10 =	vadd.f32 v14, v62;
	v62 =	vmov s14  }
0x150: {  	s30 =	simm.s32 $0x3;
	s31 =	simm.s32 $0x4;
	v63 =	vmov s6;
	v7 =	vshrl.u32 v34, $0x3;
	v3 =	vshrl.u32 v62, $0x3;
	[tilespmem:v8+s15+$0x0] =	vst.idx.msk $0xffff, v9  }
0x151: {  	s6 =	simm.s32 $0x6;
	v8 =	vmov s30;
	v9 =	vmov s31;
	[tilespmem:v2+s15+$0x0] =	vst.idx.msk $0xffff, v10;
	v2 =	vshll.u32 v7, v1  }
0x152: {  	s7 =	simm.s32 $0x7;
	[tilespmem:v4+s15+$0x0] =	vst.idx.msk $0xffff, v6;
	v7 =	vshrl.u32 v35, $0x3;
	v10 =	vmov s6;
	v3 =	vshll.u32 v3, v1  }
0x153: {  	[tilespmem:v5+s15+$0x0] =	vst.idx.msk $0xffff, v11;
	v8 =	vshrl.u32 v8, $0x3;
	v6 =	vshrl.u32 v10, $0x3;
	v10 =	vmov s7  }
0x154: {  	v5 =	vadd.s32 v61, v2;
	v7 =	vshll.u32 v7, v1;
	v2 =	vld [tilespmem:s24+$0x14F40];
	v10 =	vshrl.u32 v10, $0x3  }
0x155: {  	v9 =	vshrl.u32 v9, $0x3;
	v11 =	vld [tilespmem:s29+$0x0];
	v7 =	vadd.s32 v61, v7;
	v10 =	vshll.u32 v10, v1  }
0x156: {  	v33 =	vld [tilespmem:$0x1FE80];
	v8 =	vshll.u32 v8, v1;
	v19 =	vbroadcast v7, $0x0;
	v10 =	vadd.s32 v61, v10  }
0x157: {  	v3 =	vadd.s32 v61, v3;
	v7 =	vadd.s32 v61, v8;
	v8 =	vld [tilespmem:s29+$0xFFFFFF60];
	v18 =	vbroadcast v10, $0x0  }
0x158: {  	v9 =	vshll.u32 v9, v1;
	v20 =	vbroadcast v3, $0x0;
	v10 =	vld [tilespmem:s29+$0xFFFFFF40];
	[tilespmem:$0x1FC10] =	vst v19  }
0x159: {  	v4 =	vshrl.u32 v63, $0x3;
	v34 =	vld [tilespmem:$0x1FE90];
	v3 =	vadd.s32 v61, v9;
	v21 =	vbroadcast v7, $0x0;
	[tilespmem:$0x1FC00] =	vst v18  }
0x15a: {  	v4 =	vshll.u32 v4, v1;
	v22 =	vbroadcast v3, $0x0;
	v9 =	vadd.s32 v40, v18;
	v13 =	vld [tilespmem:s29+$0xFFFFFF80];
	[tilespmem:$0x1FC20] =	vst v20  }
0x15b: {  	v4 =	vadd.s32 v61, v4;
	v12 =	vadd.s32 v33, v19;
	v14 =	vld [tilespmem:s29+$0xFFFFFFA0];
	[tilespmem:$0x1FC30] =	vst v21  }
0x15c: {  	v35 =	vbroadcast v4, $0x0;
	v23 =	vld [tilespmem:s29+$0xFFFFFFC0];
	[tilespmem:$0x1FC40] =	vst v22  }
0x15d: {  	v6 =	vshll.u32 v6, v1;
	v4 =	vadd.f32 v11, v2;
	v16 =	vld [tilespmem:s29+$0xFFFFFFE0]  }
0x15e: {  	v3 =	vadd.s32 v61, v6;
	v7 =	vadd.s32 v34, v20;
	v10 =	vadd.f32 v10, v2;
	v20 =	vld [tilespmem:s29+$0xFFFFFF20];
	[tilespmem:$0x1FC50] =	vst v35  }
0x15f: {  	v62 =	vld [tilespmem:s24+$0x14F50];
	v27 =	vbroadcast v3, $0x0;
	v6 =	vadd.s32 v36, v21;
	[tilespmem:v9+s15+$0x0] =	vst.idx.msk $0xffff, v4  }
0x160: {  	v11 =	vadd.s32 v37, v22;
	v21 =	vbroadcast v5, $0x0;
	[tilespmem:v12+s15+$0x0] =	vst.idx.msk $0xffff, v10  }
0x161: {  	v3 =	vadd.f32 v8, v2;
	v5 =	vadd.s32 v38, v35;
	[tilespmem:$0x1FC60] =	vst v27  }
0x162: {  	v9 =	vadd.s32 v39, v27;
	v4 =	vadd.f32 v13, v2;
	v27 =	vld [tilespmem:$0x1FFF0];
	[tilespmem:$0x1FC70] =	vst v21  }
0x163: {  	[tilespmem:v7+s15+$0x0] =	vst.idx.msk $0xffff, v3;
	v3 =	vadd.f32 v14, v2  }
0x164: {  	[tilespmem:v6+s15+$0x0] =	vst.idx.msk $0xffff, v4;
	v4 =	vadd.f32 v23, v2  }
0x165: {  	s13 =	simm.s32 $0x9;
	[tilespmem:v11+s15+$0x0] =	vst.idx.msk $0xffff, v3  }
0x166: {  	v10 =	vmov s13;
	v6 =	vadd.f32 v16, v2;
	[tilespmem:v5+s15+$0x0] =	vst.idx.msk $0xffff, v4  }
0x167: {  	s11 =	simm.s32 $0x8;
	s14 =	simm.s32 $0xA;
	v22 =	vadd.s32 v27, v21;
	[tilespmem:$0x1FC80] =	vst v10  }
0x168: {  	s30 =	simm.s32 $0xB;
	v8 =	vmov s11;
	v23 =	vmov s14;
	[tilespmem:v9+s15+$0x0] =	vst.idx.msk $0xffff, v6  }
0x169: {  	s1 =	simm.s32 $0xD;
	s31 =	simm.s32 $0xC;
	v35 =	vmov s30;
	v7 =	vshrl.u32 v8, $0x3;
	[tilespmem:$0x1FC90] =	vst v23  }
0x16a: {  	s3 =	simm.s32 $0xE;
	v8 =	vmov s1;
	v3 =	vmov s31;
	v63 =	vadd.f32 v20, v2;
	[tilespmem:$0x1FCA0] =	vst v35  }
0x16b: {  	v11 =	vmov s3;
	v4 =	vshll.u32 v7, v1;
	v5 =	vshrl.u32 v10, $0x3;
	[tilespmem:$0x1FCB0] =	vst v3  }
0x16c: {  	s6 =	simm.s32 $0xF;
	s11 =	simm.s32 $0x10;
	v29 =	vmovc v7;
	v10 =	vshrl.u32 v23, $0x3;
	v6 =	vshrl.u32 v35, $0x3;
	v9 =	vshrl.u32 v3, $0x3;
	[tilespmem:v22+s15+$0x0] =	vst.idx.msk $0xffff, v63  }
.LBB2_11:
0x16d: {  	p1 =	slt.u32 s11, $0x78;
	v8 =	vshrl.u32 v8, $0x3;
	v11 =	vshrl.u32 v11, $0x3;
	v12 =	vmov s6  }
0x16e: {  	v4 =	vadd.s32 v61, v4;
	v5 =	vshll.u32 v5, v1;
	v12 =	vshrl.u32 v12, $0x3  }
0x16f: {  	v10 =	vshll.u32 v10, v1;
	v6 =	vshll.u32 v6, v1;
	v12 =	vshll.u32 v12, v1  }
0x170: {  	v9 =	vshll.u32 v9, v1;
	s29 =	sadd.s32 $0x100, s29;
	v8 =	vshll.u32 v8, v1;
	v12 =	vadd.s32 v61, v12  }
0x171: {  	v5 =	vadd.s32 v61, v5;
	v11 =	vshll.u32 v11, v1;
	v13 =	vld [tilespmem:s29+$0x0];
	v12 =	vbroadcast v12, $0x0  }
0x172: {  	v10 =	vadd.s32 v61, v10;
	v6 =	vadd.s32 v61, v6;
	v5 =	vbroadcast v5, $0x0;
	v14 =	vld [tilespmem:s29+$0xFFFFFF40]  }
0x173: {  	v9 =	vadd.s32 v61, v9;
	v10 =	vbroadcast v10, $0x0;
	v15 =	vld [tilespmem:s29+$0xFFFFFF60];
	v12 =	vadd.s32 v40, v12  }
0x174: {  	v6 =	vbroadcast v6, $0x0;
	v8 =	vadd.s32 v61, v8;
	v5 =	vadd.s32 v33, v5;
	v16 =	vld [tilespmem:s29+$0xFFFFFF80]  }
0x175: {  	v9 =	vbroadcast v9, $0x0;
	v11 =	vadd.s32 v61, v11;
	v10 =	vadd.s32 v34, v10;
	v17 =	vld [tilespmem:s29+$0xFFFFFFA0]  }
0x176: {  	v8 =	vbroadcast v8, $0x0;
	v6 =	vadd.s32 v36, v6;
	v18 =	vld [tilespmem:s29+$0xFFFFFFC0];
	v13 =	vadd.f32 v13, v2  }
0x177: {  	v11 =	vbroadcast v11, $0x0;
	v9 =	vadd.s32 v37, v9;
	v14 =	vadd.f32 v14, v2;
	v7 =	vld [tilespmem:s29+$0xFFFFFFE0]  }
0x178: {  	v4 =	vbroadcast v4, $0x0;
	v3 =	vadd.s32 v38, v8;
	v63 =	vld [tilespmem:s29+$0xFFFFFF20];
	v15 =	vadd.f32 v15, v2;
	[tilespmem:v12+s15+$0x0] =	vst.idx.msk $0xffff, v13  }
0x179: {  	v12 =	vadd.s32 v39, v11;
	[tilespmem:v5+s15+$0x0] =	vst.idx.msk $0xffff, v14;
	v5 =	vadd.f32 v16, v2  }
0x17a: {  	s6 =	sadd.s32 $0x1, s11;
	v8 =	vmov s11;
	v13 =	vadd.s32 v27, v4;
	[tilespmem:v10+s15+$0x0] =	vst.idx.msk $0xffff, v15;
	v4 =	vadd.f32 v17, v2  }
.Ltmp4:
0x17b: {  	s7 =	sadd.s32 $0x3, s11;
	v11 =	vmov s6;
	s6 =	sadd.s32 $0x2, s11;
	v10 =	vshrl.u32 v8, $0x3;
	[tilespmem:v6+s15+$0x0] =	vst.idx.msk $0xffff, v5;
	v5 =	vadd.f32 v18, v2;
	(pc) =	sbr.rel @p1 .LBB2_11-.Ltmp4, $4  }
0x17c: {  	v14 =	vmov s7;
	s7 =	sadd.s32 $0x5, s11;
	v6 =	vmov s6;
	s6 =	sadd.s32 $0x4, s11;
	[tilespmem:v9+s15+$0x0] =	vst.idx.msk $0xffff, v4;
	v7 =	vadd.f32 v7, v2  }
0x17d: {  	v8 =	vmov s7;
	v9 =	vmov s6;
	s6 =	sadd.s32 $0x6, s11;
	v15 =	vadd.f32 v63, v2;
	[tilespmem:v3+s15+$0x0] =	vst.idx.msk $0xffff, v5  }
0x17e: {  	v4 =	vshll.u32 v10, v1;
	v5 =	vshrl.u32 v11, $0x3;
	v11 =	vmov s6;
	[tilespmem:v12+s15+$0x0] =	vst.idx.msk $0xffff, v7  }
0x17f: {  	v10 =	vshrl.u32 v6, $0x3;
	v6 =	vshrl.u32 v14, $0x3;
	v9 =	vshrl.u32 v9, $0x3;
	s6 =	sadd.s32 $0x7, s11;
	s11 =	sadd.s32 $0x8, s11;
	[tilespmem:v13+s15+$0x0] =	vst.idx.msk $0xffff, v15  }
0x180: {  	v3 =	vshrl.u32 v8, $0x3;
	v7 =	vshrl.u32 v11, $0x3;
	v8 =	vmov s6  }
0x181: {  	v4 =	vadd.s32 v61, v4;
	v5 =	vshll.u32 v5, v1;
	v10 =	vshll.u32 v10, v1  }
0x182: {  	v6 =	vshll.u32 v6, v1;
	v9 =	vshll.u32 v9, v1;
	v8 =	vshrl.u32 v8, $0x3  }
0x183: {  	s31 =	sadd.s32 $0x100, s29;
	v3 =	vshll.u32 v3, v1;
	v5 =	vadd.s32 v61, v5;
	v7 =	vshll.u32 v7, v1  }
0x184: {  	v12 =	vld [tilespmem:s31+$0xFFFFFF40];
	v10 =	vadd.s32 v61, v10;
	v8 =	vshll.u32 v8, v1;
	v5 =	vbroadcast v5, $0x0  }
0x185: {  	v6 =	vadd.s32 v61, v6;
	v13 =	vld [tilespmem:s31+$0xFFFFFF60];
	v10 =	vbroadcast v10, $0x0;
	v8 =	vadd.s32 v61, v8  }
0x186: {  	v11 =	vld [tilespmem:s31+$0x0];
	v9 =	vadd.s32 v61, v9;
	v8 =	vbroadcast v8, $0x0;
	v5 =	vadd.s32 v33, v5  }
0x187: {  	v14 =	vld [tilespmem:s31+$0xFFFFFF80];
	v6 =	vbroadcast v6, $0x0;
	v3 =	vadd.s32 v61, v3;
	v10 =	vadd.s32 v34, v10  }
0x188: {  	v15 =	vld [tilespmem:s31+$0xFFFFFFA0];
	v9 =	vbroadcast v9, $0x0;
	v7 =	vadd.s32 v61, v7;
	v8 =	vadd.s32 v40, v8  }
0x189: {  	v16 =	vld [tilespmem:s31+$0xFFFFFFC0];
	v3 =	vbroadcast v3, $0x0;
	v6 =	vadd.s32 v36, v6;
	v12 =	vadd.f32 v12, v2  }
0x18a: {  	v17 =	vld [tilespmem:s31+$0xFFFFFFE0];
	v7 =	vbroadcast v7, $0x0;
	v9 =	vadd.s32 v37, v9;
	v13 =	vadd.f32 v13, v2  }
0x18b: {  	v18 =	vld [tilespmem:s31+$0xFFFFFF20];
	v4 =	vbroadcast v4, $0x0;
	v3 =	vadd.s32 v38, v3;
	v11 =	vadd.f32 v11, v2;
	[tilespmem:v5+s15+$0x0] =	vst.idx.msk $0xffff, v12  }
0x18c: {  	v7 =	vadd.s32 v39, v7;
	v5 =	vadd.f32 v14, v2;
	[tilespmem:v10+s15+$0x0] =	vst.idx.msk $0xffff, v13  }
0x18d: {  	v4 =	vadd.s32 v27, v4;
	[tilespmem:v8+s15+$0x0] =	vst.idx.msk $0xffff, v11;
	v8 =	vadd.f32 v15, v2  }
0x18e: {  	[tilespmem:v6+s15+$0x0] =	vst.idx.msk $0xffff, v5;
	v5 =	vadd.f32 v16, v2  }
0x18f: {  	v6 =	vadd.f32 v17, v2;
	[tilespmem:v9+s15+$0x0] =	vst.idx.msk $0xffff, v8  }
0x190: {  	v2 =	vadd.f32 v18, v2;
	[tilespmem:v3+s15+$0x0] =	vst.idx.msk $0xffff, v5  }
0x191: {  	[tilespmem:v7+s15+$0x0] =	vst.idx.msk $0xffff, v6  }
0x192: {  	[tilespmem:v4+s15+$0x0] =	vst.idx.msk $0xffff, v2  }
0x193: {  	v2 =	vld [tilespmem:s28+$0x0]  }
0x194: {  	v5 =	vld [tilespmem:$0x1FC00]  }
0x195: {  	v6 =	vld [tilespmem:$0x1FC10]  }
0x196: {  	v3 =	vld [tilespmem:s28+$0xFFFFFF40]  }
0x197: {  	v4 =	vld [tilespmem:s28+$0xFFFFFF60]  }
0x198: {  	v8 =	vld [tilespmem:$0x1FC20]  }
0x199: {  	v10 =	vld [tilespmem:$0x1FC30];
	v5 =	vadd.s32 v48, v5  }
0x19a: {  	v12 =	vld [tilespmem:$0x1FC40];
	v6 =	vadd.s32 v42, v6  }
0x19b: {  	v35 =	vld [tilespmem:$0x1FC50]  }
0x19c: {  	v7 =	vld [tilespmem:s28+$0xFFFFFF80];
	v2 =	vadd.f32 v2, v62  }
0x19d: {  	v9 =	vld [tilespmem:s28+$0xFFFFFFA0];
	v8 =	vadd.s32 v43, v8;
	v3 =	vadd.f32 v3, v62  }
0x19e: {  	v11 =	vld [tilespmem:s28+$0xFFFFFFC0];
	v10 =	vadd.s32 v44, v10;
	[tilespmem:v5+s15+$0x0] =	vst.idx.msk $0xffff, v2  }
0x19f: {  	v12 =	vadd.s32 v45, v12;
	[tilespmem:v6+s15+$0x0] =	vst.idx.msk $0xffff, v3  }
0x1a0: {  	v4 =	vadd.f32 v4, v62;
	v15 =	vadd.s32 v46, v35;
	v3 =	vld [tilespmem:$0x1FC60]  }
0x1a1: {  	v2 =	vadd.f32 v7, v62  }
0x1a2: {  	v5 =	vld [tilespmem:$0x1FC70];
	[tilespmem:v8+s15+$0x0] =	vst.idx.msk $0xffff, v4;
	v4 =	vadd.f32 v9, v62  }
0x1a3: {  	v13 =	vld [tilespmem:s28+$0xFFFFFFE0];
	[tilespmem:v10+s15+$0x0] =	vst.idx.msk $0xffff, v2;
	v2 =	vadd.f32 v11, v62  }
0x1a4: {  	[tilespmem:v12+s15+$0x0] =	vst.idx.msk $0xffff, v4  }
0x1a5: {  	[tilespmem:v15+s15+$0x0] =	vst.idx.msk $0xffff, v2;
	v3 =	vadd.s32 v47, v3  }
0x1a6: {  	v2 =	vld [tilespmem:$0x1FC80];
	_ =	sdelay $0x1  }
0x1a7: {  	v7 =	vadd.f32 v13, v62;
	_ =	sdelay $0x1  }
0x1a8: {  	[tilespmem:v3+s15+$0x0] =	vst.idx.msk $0xffff, v7  }
0x1a9: {  	v6 =	vshrl.u32 v2, $0x3;
	v2 =	vld [tilespmem:$0x1FC90];
	_ =	sdelay $0x4  }
0x1aa: {  	v7 =	vshrl.u32 v2, $0x3;
	v2 =	vld [tilespmem:$0x1FCA0];
	_ =	sdelay $0x2  }
0x1ab: {  	v34 =	vld [tilespmem:s28+$0xFFFFFF20];
	_ =	sdelay $0x1  }
0x1ac: {  	v63 =	vadd.s32 v41, v5;
	v8 =	vshrl.u32 v2, $0x3;
	v2 =	vld [tilespmem:$0x1FCB0];
	_ =	sdelay $0x2  }
0x1ad: {  	v10 =	vadd.f32 v34, v62  }
0x1ae: {  	v9 =	vmov s3  }
0x1af: {  	s3 =	simm.s32 $0xF;
	v4 =	vmov s1;
	s1 =	simm.s32 $0x10;
	v5 =	vshll.u32 v29, v1;
	[tilespmem:v63+s15+$0x0] =	vst.idx.msk $0xffff, v10;
	v2 =	vshrl.u32 v2, $0x3  }
.LBB2_13:
0x1b0: {  	p1 =	slt.u32 s1, $0x78;
	v3 =	vshrl.u32 v4, $0x3;
	v4 =	vshrl.u32 v9, $0x3;
	v9 =	vmov s3  }
0x1b1: {  	v5 =	vadd.s32 v61, v5;
	v6 =	vshll.u32 v6, v1;
	v9 =	vshrl.u32 v9, $0x3  }
0x1b2: {  	v7 =	vshll.u32 v7, v1;
	v8 =	vshll.u32 v8, v1;
	v9 =	vshll.u32 v9, v1  }
0x1b3: {  	v2 =	vshll.u32 v2, v1;
	s28 =	sadd.s32 $0x100, s28;
	v3 =	vshll.u32 v3, v1;
	v9 =	vadd.s32 v61, v9  }
0x1b4: {  	v6 =	vadd.s32 v61, v6;
	v4 =	vshll.u32 v4, v1;
	v10 =	vld [tilespmem:s28+$0x0];
	v9 =	vbroadcast v9, $0x0  }
0x1b5: {  	v7 =	vadd.s32 v61, v7;
	v8 =	vadd.s32 v61, v8;
	v6 =	vbroadcast v6, $0x0;
	v11 =	vld [tilespmem:s28+$0xFFFFFF40]  }
0x1b6: {  	v2 =	vadd.s32 v61, v2;
	v7 =	vbroadcast v7, $0x0;
	v12 =	vld [tilespmem:s28+$0xFFFFFF60];
	v9 =	vadd.s32 v48, v9  }
0x1b7: {  	v8 =	vbroadcast v8, $0x0;
	v3 =	vadd.s32 v61, v3;
	v6 =	vadd.s32 v42, v6;
	v13 =	vld [tilespmem:s28+$0xFFFFFF80]  }
0x1b8: {  	v2 =	vbroadcast v2, $0x0;
	v4 =	vadd.s32 v61, v4;
	v7 =	vadd.s32 v43, v7;
	v14 =	vld [tilespmem:s28+$0xFFFFFFA0]  }
0x1b9: {  	v3 =	vbroadcast v3, $0x0;
	v8 =	vadd.s32 v44, v8;
	v15 =	vld [tilespmem:s28+$0xFFFFFFC0];
	v10 =	vadd.f32 v10, v62  }
0x1ba: {  	v4 =	vbroadcast v4, $0x0;
	v2 =	vadd.s32 v45, v2;
	v11 =	vadd.f32 v11, v62;
	v16 =	vld [tilespmem:s28+$0xFFFFFFE0]  }
0x1bb: {  	v5 =	vbroadcast v5, $0x0;
	v3 =	vadd.s32 v46, v3;
	v17 =	vld [tilespmem:s28+$0xFFFFFF20];
	v12 =	vadd.f32 v12, v62;
	[tilespmem:v9+s15+$0x0] =	vst.idx.msk $0xffff, v10  }
0x1bc: {  	v10 =	vadd.s32 v47, v4;
	[tilespmem:v6+s15+$0x0] =	vst.idx.msk $0xffff, v11;
	v6 =	vadd.f32 v13, v62  }
0x1bd: {  	s3 =	sadd.s32 $0x1, s1;
	v4 =	vmov s1;
	v11 =	vadd.s32 v41, v5;
	[tilespmem:v7+s15+$0x0] =	vst.idx.msk $0xffff, v12;
	v5 =	vadd.f32 v14, v62  }
.Ltmp5:
0x1be: {  	s6 =	sadd.s32 $0x3, s1;
	v9 =	vmov s3;
	s3 =	sadd.s32 $0x2, s1;
	v7 =	vshrl.u32 v4, $0x3;
	[tilespmem:v8+s15+$0x0] =	vst.idx.msk $0xffff, v6;
	v6 =	vadd.f32 v15, v62;
	(pc) =	sbr.rel @p1 .LBB2_13-.Ltmp5, $4  }
0x1bf: {  	v12 =	vmov s6;
	s6 =	sadd.s32 $0x5, s1;
	v8 =	vmov s3;
	s3 =	sadd.s32 $0x4, s1;
	[tilespmem:v2+s15+$0x0] =	vst.idx.msk $0xffff, v5;
	v2 =	vadd.f32 v16, v62  }
0x1c0: {  	v4 =	vmov s6;
	v13 =	vmov s3;
	s3 =	sadd.s32 $0x6, s1;
	v14 =	vadd.f32 v17, v62;
	[tilespmem:v3+s15+$0x0] =	vst.idx.msk $0xffff, v6  }
0x1c1: {  	v5 =	vshll.u32 v7, v1;
	v6 =	vshrl.u32 v9, $0x3;
	v9 =	vmov s3;
	[tilespmem:v10+s15+$0x0] =	vst.idx.msk $0xffff, v2  }
0x1c2: {  	v7 =	vshrl.u32 v8, $0x3;
	v8 =	vshrl.u32 v12, $0x3;
	s3 =	sadd.s32 $0x7, s1;
	s1 =	sadd.s32 $0x8, s1;
	v2 =	vshrl.u32 v13, $0x3;
	[tilespmem:v11+s15+$0x0] =	vst.idx.msk $0xffff, v14  }
0x1c3: {  	v3 =	vshrl.u32 v4, $0x3;
	v4 =	vshrl.u32 v9, $0x3;
	v9 =	vmov s3  }
0x1c4: {  	v5 =	vadd.s32 v61, v5;
	v6 =	vshll.u32 v6, v1;
	v7 =	vshll.u32 v7, v1  }
0x1c5: {  	s1 =	sadd.s32 $0x100, s28;
	v8 =	vshll.u32 v8, v1;
	v2 =	vshll.u32 v2, v1;
	v9 =	vshrl.u32 v9, $0x3  }
0x1c6: {  	v10 =	vld [tilespmem:s1+$0x0];
	v3 =	vshll.u32 v3, v1;
	v6 =	vadd.s32 v61, v6;
	v4 =	vshll.u32 v4, v1  }
0x1c7: {  	v11 =	vld [tilespmem:s1+$0xFFFFFF40];
	v7 =	vadd.s32 v61, v7;
	v8 =	vadd.s32 v61, v8;
	v6 =	vbroadcast v6, $0x0  }
0x1c8: {  	v12 =	vld [tilespmem:s1+$0xFFFFFF60];
	v9 =	vshll.u32 v9, v1;
	v7 =	vbroadcast v7, $0x0;
	v3 =	vadd.s32 v61, v3  }
0x1c9: {  	v15 =	vld [tilespmem:s1+$0xFFFFFFC0];
	v9 =	vadd.s32 v61, v9;
	v3 =	vbroadcast v3, $0x0;
	v6 =	vadd.s32 v42, v6  }
0x1ca: {  	v13 =	vld [tilespmem:s1+$0xFFFFFF80];
	v4 =	vadd.s32 v61, v4;
	v9 =	vbroadcast v9, $0x0;
	v7 =	vadd.s32 v43, v7  }
0x1cb: {  	v2 =	vadd.s32 v61, v2;
	v16 =	vld [tilespmem:s1+$0xFFFFFFE0];
	v4 =	vbroadcast v4, $0x0;
	v3 =	vadd.s32 v46, v3  }
0x1cc: {  	v17 =	vld [tilespmem:s1+$0xFFFFFF20];
	v8 =	vbroadcast v8, $0x0;
	v9 =	vadd.s32 v48, v9;
	v11 =	vadd.f32 v11, v62  }
0x1cd: {  	v14 =	vld [tilespmem:s1+$0xFFFFFFA0];
	v2 =	vbroadcast v2, $0x0;
	v4 =	vadd.s32 v47, v4;
	v12 =	vadd.f32 v12, v62  }
0x1ce: {  	s28 =	simm.s32 $0x0;
	v5 =	vbroadcast v5, $0x0;
	v8 =	vadd.s32 v44, v8;
	v34 =	vadd.f32 v15, v62;
	[tilespmem:v6+s15+$0x0] =	vst.idx.msk $0xffff, v11  }
0x1cf: {  	s30 =	simm.s32 $0x2;
	v35 =	vmov s28;
	v2 =	vadd.s32 v45, v2;
	v10 =	vadd.f32 v10, v62;
	[tilespmem:v7+s15+$0x0] =	vst.idx.msk $0xffff, v12  }
0x1d0: {  	s6 =	simm.s32 $0x5;
	v63 =	vmov s30;
	v5 =	vadd.s32 v41, v5;
	v6 =	vadd.f32 v16, v62;
	[tilespmem:v3+s15+$0x0] =	vst.idx.msk $0xffff, v34  }
0x1d1: {  	v33 =	vmov s6;
	v11 =	vadd.f32 v17, v62;
	[tilespmem:v9+s15+$0x0] =	vst.idx.msk $0xffff, v10;
	v9 =	vadd.f32 v13, v62  }
0x1d2: {  	s29 =	simm.s32 $0x1;
	v7 =	vshrl.u32 v35, $0x3;
	v3 =	vshrl.u32 v63, $0x3;
	v10 =	vadd.f32 v14, v62;
	[tilespmem:v4+s15+$0x0] =	vst.idx.msk $0xffff, v6  }
0x1d3: {  	s31 =	simm.s32 $0x3;
	s11 =	simm.s32 $0x6;
	v62 =	vmov s29;
	v4 =	vshrl.u32 v33, $0x3;
	v3 =	vshll.u32 v3, v1;
	[tilespmem:v8+s15+$0x0] =	vst.idx.msk $0xffff, v9  }
0x1d4: {  	s7 =	simm.s32 $0x4;
	s13 =	simm.s32 $0x7;
	v3 =	vadd.s32 v61, v3;
	v8 =	vmov s31;
	[tilespmem:v2+s15+$0x0] =	vst.idx.msk $0xffff, v10;
	v10 =	vmov s11  }
0x1d5: {  	v9 =	vmov s7;
	v6 =	vshrl.u32 v10, $0x3;
	v10 =	vmov s13  }
0x1d6: {  	v2 =	vshll.u32 v7, v1;
	v7 =	vshrl.u32 v62, $0x3;
	v10 =	vshrl.u32 v10, $0x3  }
0x1d7: {  	[tilespmem:v5+s15+$0x0] =	vst.idx.msk $0xffff, v11;
	v29 =	vbroadcast v3, $0x0;
	v8 =	vshrl.u32 v8, $0x3;
	v10 =	vshll.u32 v10, v1  }
0x1d8: {  	v5 =	vadd.s32 v61, v2;
	v7 =	vshll.u32 v7, v1;
	v2 =	vld [tilespmem:s24+$0x14F60];
	v10 =	vadd.s32 v61, v10  }
0x1d9: {  	v9 =	vshrl.u32 v9, $0x3;
	v11 =	vld [tilespmem:s26+$0x0];
	v7 =	vadd.s32 v61, v7;
	v19 =	vbroadcast v10, $0x0  }
0x1da: {  	v8 =	vshll.u32 v8, v1;
	v9 =	vshll.u32 v9, v1;
	v20 =	vbroadcast v7, $0x0;
	v10 =	vld [tilespmem:s26+$0xFFFFFF40]  }
0x1db: {  	v7 =	vadd.s32 v61, v8;
	v3 =	vadd.s32 v61, v9;
	v9 =	vadd.s32 v56, v19  }
0x1dc: {  	v4 =	vshll.u32 v4, v1;
	v13 =	vld [tilespmem:s26+$0xFFFFFF80];
	v34 =	vbroadcast v7, $0x0;
	v12 =	vadd.s32 v50, v20  }
0x1dd: {  	v4 =	vadd.s32 v61, v4;
	v8 =	vld [tilespmem:s26+$0xFFFFFF60];
	v16 =	vbroadcast v3, $0x0  }
0x1de: {  	v14 =	vld [tilespmem:s26+$0xFFFFFFA0];
	v33 =	vbroadcast v4, $0x0;
	v6 =	vshll.u32 v6, v1;
	[tilespmem:$0x1FB80] =	vst v34;
	v4 =	vadd.f32 v11, v2  }
0x1df: {  	v7 =	vadd.s32 v51, v29;
	v3 =	vadd.s32 v61, v6;
	v15 =	vld [tilespmem:s26+$0xFFFFFFC0];
	[tilespmem:$0x1FB90] =	vst v16;
	v10 =	vadd.f32 v10, v2  }
0x1e0: {  	v62 =	vld [tilespmem:s24+$0x14F70];
	v18 =	vbroadcast v3, $0x0;
	v6 =	vadd.s32 v52, v34;
	[tilespmem:v9+s15+$0x0] =	vst.idx.msk $0xffff, v4  }
0x1e1: {  	v63 =	vbroadcast v5, $0x0;
	v11 =	vadd.s32 v53, v16;
	v16 =	vld [tilespmem:s26+$0xFFFFFFE0];
	[tilespmem:v12+s15+$0x0] =	vst.idx.msk $0xffff, v10  }
0x1e2: {  	v5 =	vadd.s32 v54, v33;
	v17 =	vld [tilespmem:s26+$0xFFFFFF20];
	v3 =	vadd.f32 v8, v2;
	[tilespmem:$0x1FBA0] =	vst v18  }
0x1e3: {  	v4 =	vadd.f32 v13, v2;
	[tilespmem:$0x1FBB0] =	vst v63  }
0x1e4: {  	[tilespmem:v7+s15+$0x0] =	vst.idx.msk $0xffff, v3;
	v3 =	vadd.f32 v14, v2  }
0x1e5: {  	s14 =	simm.s32 $0x8;
	v8 =	vadd.s32 v55, v18;
	[tilespmem:v6+s15+$0x0] =	vst.idx.msk $0xffff, v4;
	v6 =	vadd.f32 v15, v2  }
0x1e6: {  	v9 =	vmov s14;
	[tilespmem:v11+s15+$0x0] =	vst.idx.msk $0xffff, v3  }
0x1e7: {  	s28 =	simm.s32 $0x9;
	v7 =	vshrl.u32 v9, $0x3;
	[tilespmem:v5+s15+$0x0] =	vst.idx.msk $0xffff, v6  }
0x1e8: {  	v35 =	vmov s28;
	v12 =	vadd.s32 v49, v63;
	v10 =	vadd.f32 v16, v2;
	[tilespmem:$0x1FBC0] =	vst v7  }
0x1e9: {  	s30 =	simm.s32 $0xB;
	s29 =	simm.s32 $0xA;
	[tilespmem:$0x1FBD0] =	vst v35  }
0x1ea: {  	s1 =	simm.s32 $0xD;
	s31 =	simm.s32 $0xC;
	v18 =	vmov s29;
	v15 =	vmov s30;
	[tilespmem:v8+s15+$0x0] =	vst.idx.msk $0xffff, v10  }
0x1eb: {  	s3 =	simm.s32 $0xE;
	v63 =	vadd.f32 v17, v2;
	v4 =	vmov s1;
	v3 =	vmov s31;
	[tilespmem:$0x1FBE0] =	vst v15  }
0x1ec: {  	v9 =	vshll.u32 v7, v1;
	v5 =	vshrl.u32 v35, $0x3;
	v11 =	vmov s3;
	[tilespmem:$0x1FBF0] =	vst v3  }
0x1ed: {  	s6 =	simm.s32 $0xF;
	s11 =	simm.s32 $0x10;
	v34 =	vmovc v18;
	v6 =	vshrl.u32 v15, $0x3;
	v10 =	vshrl.u32 v18, $0x3;
	v8 =	vshrl.u32 v3, $0x3;
	[tilespmem:v12+s15+$0x0] =	vst.idx.msk $0xffff, v63  }
.LBB2_15:
0x1ee: {  	p1 =	slt.u32 s11, $0x78;
	v4 =	vshrl.u32 v4, $0x3;
	v11 =	vshrl.u32 v11, $0x3;
	v12 =	vmov s6  }
0x1ef: {  	v9 =	vadd.s32 v61, v9;
	v5 =	vshll.u32 v5, v1;
	v12 =	vshrl.u32 v12, $0x3  }
0x1f0: {  	v10 =	vshll.u32 v10, v1;
	v6 =	vshll.u32 v6, v1;
	v12 =	vshll.u32 v12, v1  }
0x1f1: {  	v8 =	vshll.u32 v8, v1;
	s26 =	sadd.s32 $0x100, s26;
	v4 =	vshll.u32 v4, v1;
	v12 =	vadd.s32 v61, v12  }
0x1f2: {  	v5 =	vadd.s32 v61, v5;
	v11 =	vshll.u32 v11, v1;
	v13 =	vld [tilespmem:s26+$0x0];
	v12 =	vbroadcast v12, $0x0  }
0x1f3: {  	v10 =	vadd.s32 v61, v10;
	v6 =	vadd.s32 v61, v6;
	v5 =	vbroadcast v5, $0x0;
	v14 =	vld [tilespmem:s26+$0xFFFFFF40]  }
0x1f4: {  	v8 =	vadd.s32 v61, v8;
	v10 =	vbroadcast v10, $0x0;
	v15 =	vld [tilespmem:s26+$0xFFFFFF60];
	v12 =	vadd.s32 v56, v12  }
0x1f5: {  	v6 =	vbroadcast v6, $0x0;
	v4 =	vadd.s32 v61, v4;
	v5 =	vadd.s32 v50, v5;
	v16 =	vld [tilespmem:s26+$0xFFFFFF80]  }
0x1f6: {  	v8 =	vbroadcast v8, $0x0;
	v11 =	vadd.s32 v61, v11;
	v10 =	vadd.s32 v51, v10;
	v17 =	vld [tilespmem:s26+$0xFFFFFFA0]  }
0x1f7: {  	v4 =	vbroadcast v4, $0x0;
	v6 =	vadd.s32 v52, v6;
	v18 =	vld [tilespmem:s26+$0xFFFFFFC0];
	v13 =	vadd.f32 v13, v2  }
0x1f8: {  	v11 =	vbroadcast v11, $0x0;
	v8 =	vadd.s32 v53, v8;
	v14 =	vadd.f32 v14, v2;
	v7 =	vld [tilespmem:s26+$0xFFFFFFE0]  }
0x1f9: {  	v9 =	vbroadcast v9, $0x0;
	v3 =	vadd.s32 v54, v4;
	v63 =	vld [tilespmem:s26+$0xFFFFFF20];
	v15 =	vadd.f32 v15, v2;
	[tilespmem:v12+s15+$0x0] =	vst.idx.msk $0xffff, v13  }
0x1fa: {  	v12 =	vadd.s32 v55, v11;
	[tilespmem:v5+s15+$0x0] =	vst.idx.msk $0xffff, v14;
	v4 =	vadd.f32 v16, v2  }
0x1fb: {  	s6 =	sadd.s32 $0x1, s11;
	v13 =	vadd.s32 v49, v9;
	v5 =	vmov s11;
	[tilespmem:v10+s15+$0x0] =	vst.idx.msk $0xffff, v15;
	v9 =	vadd.f32 v17, v2  }
.Ltmp6:
0x1fc: {  	s7 =	sadd.s32 $0x3, s11;
	v5 =	vshrl.u32 v5, $0x3;
	v10 =	vmov s6;
	s6 =	sadd.s32 $0x2, s11;
	[tilespmem:v6+s15+$0x0] =	vst.idx.msk $0xffff, v4;
	v6 =	vadd.f32 v18, v2;
	(pc) =	sbr.rel @p1 .LBB2_15-.Ltmp6, $4  }
0x1fd: {  	v15 =	vmov s7;
	s7 =	sadd.s32 $0x5, s11;
	v14 =	vmov s6;
	s6 =	sadd.s32 $0x4, s11;
	[tilespmem:v8+s15+$0x0] =	vst.idx.msk $0xffff, v9;
	v7 =	vadd.f32 v7, v2  }
0x1fe: {  	v4 =	vmov s7;
	v8 =	vmov s6;
	s6 =	sadd.s32 $0x6, s11;
	v16 =	vadd.f32 v63, v2;
	[tilespmem:v3+s15+$0x0] =	vst.idx.msk $0xffff, v6  }
0x1ff: {  	v9 =	vshll.u32 v5, v1;
	v5 =	vshrl.u32 v10, $0x3;
	v11 =	vmov s6;
	[tilespmem:v12+s15+$0x0] =	vst.idx.msk $0xffff, v7  }
0x200: {  	v10 =	vshrl.u32 v14, $0x3;
	v6 =	vshrl.u32 v15, $0x3;
	v8 =	vshrl.u32 v8, $0x3;
	s6 =	sadd.s32 $0x7, s11;
	s11 =	sadd.s32 $0x8, s11;
	[tilespmem:v13+s15+$0x0] =	vst.idx.msk $0xffff, v16  }
0x201: {  	v3 =	vshrl.u32 v4, $0x3;
	v4 =	vshrl.u32 v11, $0x3;
	v7 =	vmov s6  }
0x202: {  	v9 =	vadd.s32 v61, v9;
	v5 =	vshll.u32 v5, v1;
	v10 =	vshll.u32 v10, v1  }
0x203: {  	v6 =	vshll.u32 v6, v1;
	v8 =	vshll.u32 v8, v1;
	v7 =	vshrl.u32 v7, $0x3  }
0x204: {  	s31 =	sadd.s32 $0x100, s26;
	v3 =	vshll.u32 v3, v1;
	v5 =	vadd.s32 v61, v5;
	v4 =	vshll.u32 v4, v1  }
0x205: {  	v12 =	vld [tilespmem:s31+$0xFFFFFF40];
	v10 =	vadd.s32 v61, v10;
	v7 =	vshll.u32 v7, v1;
	v5 =	vbroadcast v5, $0x0  }
0x206: {  	v6 =	vadd.s32 v61, v6;
	v13 =	vld [tilespmem:s31+$0xFFFFFF60];
	v10 =	vbroadcast v10, $0x0;
	v7 =	vadd.s32 v61, v7  }
0x207: {  	v11 =	vld [tilespmem:s31+$0x0];
	v8 =	vadd.s32 v61, v8;
	v7 =	vbroadcast v7, $0x0;
	v5 =	vadd.s32 v50, v5  }
0x208: {  	v14 =	vld [tilespmem:s31+$0xFFFFFF80];
	v6 =	vbroadcast v6, $0x0;
	v3 =	vadd.s32 v61, v3;
	v10 =	vadd.s32 v51, v10  }
0x209: {  	v15 =	vld [tilespmem:s31+$0xFFFFFFA0];
	v8 =	vbroadcast v8, $0x0;
	v4 =	vadd.s32 v61, v4;
	v7 =	vadd.s32 v56, v7  }
0x20a: {  	v16 =	vld [tilespmem:s31+$0xFFFFFFC0];
	v3 =	vbroadcast v3, $0x0;
	v6 =	vadd.s32 v52, v6;
	v12 =	vadd.f32 v12, v2  }
0x20b: {  	v17 =	vld [tilespmem:s31+$0xFFFFFFE0];
	v4 =	vbroadcast v4, $0x0;
	v8 =	vadd.s32 v53, v8;
	v13 =	vadd.f32 v13, v2  }
0x20c: {  	v18 =	vld [tilespmem:s31+$0xFFFFFF20];
	v9 =	vbroadcast v9, $0x0;
	v3 =	vadd.s32 v54, v3;
	v11 =	vadd.f32 v11, v2;
	[tilespmem:v5+s15+$0x0] =	vst.idx.msk $0xffff, v12  }
0x20d: {  	v4 =	vadd.s32 v55, v4;
	v5 =	vadd.f32 v14, v2;
	[tilespmem:v10+s15+$0x0] =	vst.idx.msk $0xffff, v13  }
0x20e: {  	[tilespmem:v7+s15+$0x0] =	vst.idx.msk $0xffff, v11;
	v7 =	vadd.s32 v49, v9;
	v9 =	vadd.f32 v15, v2  }
0x20f: {  	[tilespmem:v6+s15+$0x0] =	vst.idx.msk $0xffff, v5;
	v5 =	vadd.f32 v16, v2  }
0x210: {  	v6 =	vadd.f32 v17, v2;
	[tilespmem:v8+s15+$0x0] =	vst.idx.msk $0xffff, v9  }
0x211: {  	v2 =	vadd.f32 v18, v2;
	[tilespmem:v3+s15+$0x0] =	vst.idx.msk $0xffff, v5  }
0x212: {  	[tilespmem:v4+s15+$0x0] =	vst.idx.msk $0xffff, v6  }
0x213: {  	[tilespmem:v7+s15+$0x0] =	vst.idx.msk $0xffff, v2  }
0x214: {  	v3 =	vld [tilespmem:s25+$0x0]  }
0x215: {  	v4 =	vadd.s32 $0x3B87, v0;
	v5 =	vld [tilespmem:s25+$0xFFFFFF40]  }
0x216: {  	v7 =	vadd.s32 v4, v19  }
0x217: {  	v10 =	vadd.s32 v58, v20;
	_ =	sdelay $0x1  }
0x218: {  	v3 =	vadd.f32 v3, v62  }
0x219: {  	v8 =	vld [tilespmem:$0x1FB80];
	v5 =	vadd.f32 v5, v62  }
0x21a: {  	v9 =	vld [tilespmem:$0x1FB90];
	[tilespmem:v7+s15+$0x0] =	vst.idx.msk $0xffff, v3  }
0x21b: {  	v6 =	vld [tilespmem:s25+$0xFFFFFF60];
	[tilespmem:v10+s15+$0x0] =	vst.idx.msk $0xffff, v5  }
0x21c: {  	v5 =	vld [tilespmem:$0x1FBA0]  }
0x21d: {  	v11 =	vld [tilespmem:s25+$0xFFFFFF80]  }
0x21e: {  	v13 =	vld [tilespmem:s25+$0xFFFFFFA0]  }
0x21f: {  	v22 =	vadd.s32 v59, v29;
	v2 =	vadd.s32 $0x3B84, v0;
	v28 =	vld [tilespmem:s25+$0xFFFFFFC0];
	v23 =	vadd.s32 v60, v8  }
0x220: {  	v30 =	vld [tilespmem:s25+$0xFFFFFFE0];
	v8 =	vadd.s32 $0x3B85, v0;
	v29 =	vadd.s32 v2, v9;
	v9 =	vadd.s32 $0x3B86, v0  }
0x221: {  	v63 =	vadd.s32 v8, v33;
	v7 =	vadd.s32 v9, v5;
	v5 =	vld [tilespmem:$0x1FBB0]  }
0x222: {  	v3 =	vadd.f32 v11, v62  }
0x223: {  	v6 =	vadd.f32 v6, v62  }
0x224: {  	[tilespmem:v23+s15+$0x0] =	vst.idx.msk $0xffff, v3;
	v3 =	vadd.f32 v28, v62  }
0x225: {  	[tilespmem:v22+s15+$0x0] =	vst.idx.msk $0xffff, v6;
	v6 =	vadd.f32 v30, v62  }
0x226: {  	[tilespmem:v63+s15+$0x0] =	vst.idx.msk $0xffff, v3;
	v33 =	vadd.s32 v57, v5;
	v5 =	vadd.f32 v13, v62  }
0x227: {  	[tilespmem:v7+s15+$0x0] =	vst.idx.msk $0xffff, v6  }
0x228: {  	[tilespmem:v29+s15+$0x0] =	vst.idx.msk $0xffff, v5  }
0x229: {  	v6 =	vld [tilespmem:$0x1FBC0]  }
0x22a: {  	v31 =	vld [tilespmem:s25+$0xFFFFFF20];
	_ =	sdelay $0x3  }
0x22b: {  	v11 =	vshll.u32 v6, v1;
	v6 =	vld [tilespmem:$0x1FBD0]  }
0x22c: {  	v35 =	vadd.f32 v31, v62;
	_ =	sdelay $0x1  }
0x22d: {  	[tilespmem:v33+s15+$0x0] =	vst.idx.msk $0xffff, v35  }
0x22e: {  	v7 =	vld [tilespmem:$0x1FBF0]  }
0x22f: {  	v10 =	vshrl.u32 v6, $0x3;
	v6 =	vld [tilespmem:$0x1FBE0];
	_ =	sdelay $0x2  }
0x230: {  	v3 =	vmov s1  }
0x231: {  	v63 =	vshrl.u32 v34, $0x3;
	v3 =	vshrl.u32 v3, $0x3  }
0x232: {  	s1 =	simm.s32 $0x10;
	v5 =	vmov s3;
	s3 =	simm.s32 $0xF;
	v7 =	vshrl.u32 v7, $0x3;
	v6 =	vshrl.u32 v6, $0x3  }
.LBB2_17:
0x233: {  	p1 =	slt.u32 s1, $0x78;
	v11 =	vadd.s32 v61, v11;
	v5 =	vshrl.u32 v5, $0x3;
	v12 =	vmov s3  }
0x234: {  	v10 =	vshll.u32 v10, v1;
	v13 =	vshll.u32 v63, v1;
	v12 =	vshrl.u32 v12, $0x3  }
0x235: {  	v6 =	vshll.u32 v6, v1;
	v7 =	vshll.u32 v7, v1;
	v12 =	vshll.u32 v12, v1  }
0x236: {  	v3 =	vshll.u32 v3, v1;
	s25 =	sadd.s32 $0x100, s25;
	v5 =	vshll.u32 v5, v1;
	v12 =	vadd.s32 v61, v12  }
0x237: {  	v10 =	vadd.s32 v61, v10;
	v13 =	vadd.s32 v61, v13;
	v14 =	vld [tilespmem:s25+$0x0];
	v12 =	vbroadcast v12, $0x0  }
0x238: {  	v6 =	vadd.s32 v61, v6;
	v10 =	vbroadcast v10, $0x0;
	v15 =	vld [tilespmem:s25+$0xFFFFFF40]  }
0x239: {  	v7 =	vadd.s32 v61, v7;
	v13 =	vbroadcast v13, $0x0;
	v16 =	vld [tilespmem:s25+$0xFFFFFF60];
	v12 =	vadd.s32 v4, v12  }
0x23a: {  	v3 =	vadd.s32 v61, v3;
	v6 =	vbroadcast v6, $0x0;
	v10 =	vadd.s32 v58, v10;
	v17 =	vld [tilespmem:s25+$0xFFFFFF80]  }
0x23b: {  	v7 =	vbroadcast v7, $0x0;
	v5 =	vadd.s32 v61, v5;
	v13 =	vadd.s32 v59, v13;
	v18 =	vld [tilespmem:s25+$0xFFFFFFA0]  }
0x23c: {  	v3 =	vbroadcast v3, $0x0;
	v6 =	vadd.s32 v60, v6;
	v63 =	vld [tilespmem:s25+$0xFFFFFFC0];
	v14 =	vadd.f32 v14, v62  }
0x23d: {  	v5 =	vbroadcast v5, $0x0;
	v7 =	vadd.s32 v2, v7;
	v15 =	vadd.f32 v15, v62;
	v19 =	vld [tilespmem:s25+$0xFFFFFFE0]  }
0x23e: {  	v11 =	vbroadcast v11, $0x0;
	v3 =	vadd.s32 v8, v3;
	v20 =	vld [tilespmem:s25+$0xFFFFFF20];
	v16 =	vadd.f32 v16, v62;
	[tilespmem:v12+s15+$0x0] =	vst.idx.msk $0xffff, v14  }
0x23f: {  	v12 =	vadd.s32 v9, v5;
	[tilespmem:v10+s15+$0x0] =	vst.idx.msk $0xffff, v15;
	v10 =	vadd.f32 v17, v62  }
0x240: {  	v14 =	vadd.s32 v57, v11;
	[tilespmem:v13+s15+$0x0] =	vst.idx.msk $0xffff, v16;
	v5 =	vadd.f32 v18, v62  }
0x241: {  	s3 =	sadd.s32 $0x1, s1;
	v11 =	vmov s1;
	[tilespmem:v6+s15+$0x0] =	vst.idx.msk $0xffff, v10;
	v6 =	vadd.f32 v63, v62  }
.Ltmp7:
0x242: {  	s6 =	sadd.s32 $0x3, s1;
	v13 =	vmov s3;
	s3 =	sadd.s32 $0x2, s1;
	v10 =	vshrl.u32 v11, $0x3;
	[tilespmem:v7+s15+$0x0] =	vst.idx.msk $0xffff, v5;
	v7 =	vadd.f32 v19, v62;
	(pc) =	sbr.rel @p1 .LBB2_17-.Ltmp7, $4  }
0x243: {  	s7 =	sadd.s32 $0x6, s1;
	v16 =	vmov s6;
	s6 =	sadd.s32 $0x5, s1;
	v15 =	vmov s3;
	s3 =	sadd.s32 $0x4, s1;
	v17 =	vadd.f32 v20, v62;
	[tilespmem:v3+s15+$0x0] =	vst.idx.msk $0xffff, v6  }
0x244: {  	v18 =	vmov s6;
	v5 =	vmov s7;
	v3 =	vmov s3;
	[tilespmem:v12+s15+$0x0] =	vst.idx.msk $0xffff, v7  }
0x245: {  	v11 =	vshll.u32 v10, v1;
	v10 =	vshrl.u32 v13, $0x3;
	v63 =	vshrl.u32 v15, $0x3;
	[tilespmem:v14+s15+$0x0] =	vst.idx.msk $0xffff, v17  }
0x246: {  	v6 =	vshrl.u32 v16, $0x3;
	s3 =	sadd.s32 $0x7, s1;
	s1 =	sadd.s32 $0x8, s1;
	v7 =	vshrl.u32 v3, $0x3;
	v3 =	vshrl.u32 v18, $0x3  }
0x247: {  	v11 =	vadd.s32 v61, v11  }
0x248: {  	v5 =	vshrl.u32 v5, $0x3;
	v12 =	vmov s3;
	v10 =	vshll.u32 v10, v1  }
0x249: {  	s1 =	sadd.s32 $0x100, s25;
	v13 =	vshll.u32 v63, v1;
	v6 =	vshll.u32 v6, v1;
	v7 =	vshll.u32 v7, v1  }
0x24a: {  	v3 =	vshll.u32 v3, v1;
	v12 =	vshrl.u32 v12, $0x3;
	v14 =	vld [tilespmem:s1+$0x0];
	v5 =	vshll.u32 v5, v1  }
0x24b: {  	v15 =	vld [tilespmem:s1+$0xFFFFFF40];
	v10 =	vadd.s32 v61, v10;
	v13 =	vadd.s32 v61, v13;
	v12 =	vshll.u32 v12, v1  }
0x24c: {  	v16 =	vld [tilespmem:s1+$0xFFFFFF60];
	v6 =	vadd.s32 v61, v6;
	v10 =	vbroadcast v10, $0x0;
	v12 =	vadd.s32 v61, v12  }
0x24d: {  	v17 =	vld [tilespmem:s1+$0xFFFFFF80];
	v7 =	vadd.s32 v61, v7;
	v13 =	vbroadcast v13, $0x0;
	v12 =	vbroadcast v12, $0x0  }
0x24e: {  	v18 =	vld [tilespmem:s1+$0xFFFFFFA0];
	v3 =	vadd.s32 v61, v3;
	v6 =	vbroadcast v6, $0x0;
	v7 =	vbroadcast v7, $0x0  }
0x24f: {  	v19 =	vld [tilespmem:s1+$0xFFFFFFE0];
	v5 =	vadd.s32 v61, v5;
	v3 =	vbroadcast v3, $0x0;
	v4 =	vadd.s32 v4, v12  }
0x250: {  	v10 =	vadd.s32 v58, v10;
	v13 =	vadd.s32 v59, v13;
	v20 =	vadd.s32 v60, v6;
	v6 =	vld [tilespmem:s1+$0xFFFFFF20]  }
0x251: {  	v7 =	vadd.s32 v2, v7;
	v2 =	vbroadcast v5, $0x0;
	v5 =	vbroadcast v11, $0x0  }
0x252: {  	v8 =	vadd.s32 v8, v3;
	v14 =	vadd.f32 v14, v62;
	v15 =	vadd.f32 v15, v62  }
0x253: {  	v12 =	vld [tilespmem:s1+$0xFFFFFFC0];
	v16 =	vadd.f32 v16, v62;
	v3 =	vadd.f32 v17, v62;
	v9 =	vadd.s32 v9, v2  }
0x254: {  	s31 =	simm.s32 $0x0;
	v11 =	vadd.f32 v18, v62;
	[tilespmem:v4+s15+$0x0] =	vst.idx.msk $0xffff, v14;
	v14 =	vadd.s32 v57, v5  }
0x255: {  	s3 =	simm.s32 $0x1;
	v17 =	vadd.f32 v19, v62;
	v2 =	vmov s31;
	v18 =	vadd.f32 v6, v62;
	[tilespmem:v10+s15+$0x0] =	vst.idx.msk $0xffff, v15  }
0x256: {  	s6 =	simm.s32 $0x2;
	s7 =	simm.s32 $0x3;
	s11 =	simm.s32 $0x4;
	v6 =	vadd.s32 $0x4401, v0;
	[tilespmem:v13+s15+$0x0] =	vst.idx.msk $0xffff, v16;
	v10 =	vshrl.u32 v2, $0x3;
	v13 =	vmov s3  }
0x257: {  	v15 =	vmov s6;
	[tilespmem:v7+s15+$0x0] =	vst.idx.msk $0xffff, v11;
	v7 =	vmov s7;
	v11 =	vmov s11  }
0x258: {  	s25 =	simm.s32 $0x7;
	v10 =	vshll.u32 v10, v1;
	v11 =	vshrl.u32 v11, $0x3;
	v12 =	vadd.f32 v12, v62;
	[tilespmem:v9+s15+$0x0] =	vst.idx.msk $0xffff, v17  }
0x259: {  	v9 =	vshrl.u32 v13, $0x3;
	v13 =	vshrl.u32 v15, $0x3;
	[tilespmem:v14+s15+$0x0] =	vst.idx.msk $0xffff, v18;
	v14 =	vmov s25  }
0x25a: {  	s13 =	simm.s32 $0x5;
	[tilespmem:v20+s15+$0x0] =	vst.idx.msk $0xffff, v3;
	v15 =	vshrl.u32 v7, $0x3;
	v22 =	vadd.s32 v61, v10;
	v14 =	vshrl.u32 v14, $0x3  }
0x25b: {  	v9 =	vshll.u32 v9, v1;
	[tilespmem:v8+s15+$0x0] =	vst.idx.msk $0xffff, v12;
	v8 =	vmov s13;
	v14 =	vshll.u32 v14, v1  }
0x25c: {  	v13 =	vshll.u32 v13, v1;
	v8 =	vshrl.u32 v8, $0x3;
	v7 =	vld [tilespmem:s24+$0x14F80];
	v14 =	vadd.s32 v61, v14  }
0x25d: {  	v17 =	vshll.u32 v8, v1;
	v8 =	vadd.s32 v61, v9;
	v16 =	vld [tilespmem:s23+$0x0];
	v9 =	vbroadcast v14, $0x0  }
0x25e: {  	v11 =	vshll.u32 v11, v1;
	v13 =	vadd.s32 v61, v13;
	v10 =	vld [tilespmem:s23+$0xFFFFFF40];
	v14 =	vbroadcast v8, $0x0  }
0x25f: {  	s14 =	simm.s32 $0x6;
	v15 =	vshll.u32 v15, v1;
	v13 =	vbroadcast v13, $0x0;
	v20 =	vld [tilespmem:s23+$0xFFFFFF60];
	v8 =	vadd.s32 $0x4407, v0;
	[tilespmem:$0x1FAD0] =	vst v9  }
0x260: {  	v12 =	vmov s14;
	v15 =	vadd.s32 v61, v15;
	v9 =	vadd.s32 v8, v9;
	v24 =	vld [tilespmem:s23+$0xFFFFFF80];
	[tilespmem:$0x1FAE0] =	vst v14  }
0x261: {  	v11 =	vadd.s32 v61, v11;
	v12 =	vshrl.u32 v12, $0x3;
	v21 =	vbroadcast v15, $0x0;
	v25 =	vld [tilespmem:s23+$0xFFFFFFA0];
	[tilespmem:$0x1FAF0] =	vst v13  }
0x262: {  	v12 =	vshll.u32 v12, v1;
	v18 =	vbroadcast v11, $0x0;
	v19 =	vadd.s32 v6, v14;
	v14 =	vld [tilespmem:s23+$0xFFFFFFC0]  }
0x263: {  	v15 =	vadd.s32 v61, v17;
	v11 =	vadd.s32 v61, v12;
	v12 =	vadd.f32 v16, v7;
	v16 =	vld [tilespmem:s23+$0xFFFFFFE0];
	[tilespmem:$0x1FB00] =	vst v21  }
0x264: {  	v5 =	vadd.s32 $0x4402, v0;
	v23 =	vbroadcast v15, $0x0;
	v15 =	vadd.f32 v10, v7;
	v10 =	vld [tilespmem:s23+$0xFFFFFF20];
	[tilespmem:$0x1FB10] =	vst v18  }
0x265: {  	v4 =	vadd.s32 $0x4403, v0;
	v17 =	vadd.s32 v5, v13;
	v62 =	vld [tilespmem:s24+$0x14F90];
	[tilespmem:v9+s15+$0x0] =	vst.idx.msk $0xffff, v12  }
0x266: {  	v2 =	vadd.s32 $0x4405, v0;
	v35 =	vbroadcast v11, $0x0;
	v13 =	vadd.s32 v4, v21;
	[tilespmem:$0x1FB20] =	vst v23  }
0x267: {  	v63 =	vadd.s32 $0x4404, v0;
	v22 =	vbroadcast v22, $0x0;
	v12 =	vadd.s32 v2, v23;
	[tilespmem:v19+s15+$0x0] =	vst.idx.msk $0xffff, v15  }
0x268: {  	v3 =	vadd.s32 $0x4406, v0;
	v11 =	vadd.f32 v20, v7;
	v18 =	vadd.s32 v63, v18;
	[tilespmem:$0x1FB30] =	vst v35  }
0x269: {  	v15 =	vadd.f32 v24, v7;
	v19 =	vadd.s32 v3, v35;
	[tilespmem:$0x1FB40] =	vst v22  }
0x26a: {  	v9 =	vadd.s32 $0x4400, v0;
	v14 =	vadd.f32 v14, v7;
	[tilespmem:v17+s15+$0x0] =	vst.idx.msk $0xffff, v11  }
0x26b: {  	v20 =	vadd.s32 v9, v22;
	v11 =	vadd.f32 v25, v7;
	[tilespmem:v13+s15+$0x0] =	vst.idx.msk $0xffff, v15  }
0x26c: {  	v13 =	vadd.f32 v16, v7;
	[tilespmem:v12+s15+$0x0] =	vst.idx.msk $0xffff, v14  }
0x26d: {  	s26 =	simm.s32 $0x8;
	s29 =	simm.s32 $0xA;
	[tilespmem:v18+s15+$0x0] =	vst.idx.msk $0xffff, v11  }
0x26e: {  	s31 =	simm.s32 $0xD;
	s6 =	simm.s32 $0xB;
	v21 =	vmov s29;
	v17 =	vmov s26;
	v10 =	vadd.f32 v10, v7;
	[tilespmem:v19+s15+$0x0] =	vst.idx.msk $0xffff, v13  }
0x26f: {  	s28 =	simm.s32 $0x9;
	s30 =	simm.s32 $0xC;
	s1 =	simm.s32 $0xE;
	v22 =	vmov s31;
	v15 =	vshrl.u32 v17, $0x3;
	v17 =	vmov s6;
	[tilespmem:$0x1FB50] =	vst v21  }
0x270: {  	v12 =	vmov s30;
	v18 =	vmov s28;
	v11 =	vmov s1;
	[tilespmem:v20+s15+$0x0] =	vst.idx.msk $0xffff, v10  }
0x271: {  	v33 =	vmovc v15;
	v16 =	vshll.u32 v15, v1;
	v14 =	vshrl.u32 v17, $0x3;
	v15 =	vshrl.u32 v18, $0x3;
	[tilespmem:$0x1FB60] =	vst v12  }
0x272: {  	s3 =	simm.s32 $0x10;
	s6 =	simm.s32 $0xF;
	v34 =	vmovc v17;
	v29 =	vmovc v18;
	v13 =	vshrl.u32 v21, $0x3;
	v10 =	vshrl.u32 v22, $0x3;
	v12 =	vshrl.u32 v12, $0x3;
	[tilespmem:$0x1FB70] =	vst v22  }
.LBB2_19:
0x273: {  	p1 =	slt.u32 s3, $0x78;
	v16 =	vadd.s32 v61, v16;
	v11 =	vshrl.u32 v11, $0x3;
	v17 =	vmov s6  }
0x274: {  	v15 =	vshll.u32 v15, v1;
	v13 =	vshll.u32 v13, v1;
	v17 =	vshrl.u32 v17, $0x3  }
0x275: {  	v14 =	vshll.u32 v14, v1;
	v12 =	vshll.u32 v12, v1;
	v17 =	vshll.u32 v17, v1  }
0x276: {  	v10 =	vshll.u32 v10, v1;
	s23 =	sadd.s32 $0x100, s23;
	v11 =	vshll.u32 v11, v1;
	v17 =	vadd.s32 v61, v17  }
0x277: {  	v15 =	vadd.s32 v61, v15;
	v13 =	vadd.s32 v61, v13;
	v18 =	vld [tilespmem:s23+$0x0];
	v17 =	vbroadcast v17, $0x0  }
0x278: {  	v14 =	vadd.s32 v61, v14;
	v15 =	vbroadcast v15, $0x0;
	v19 =	vld [tilespmem:s23+$0xFFFFFF40]  }
0x279: {  	v12 =	vadd.s32 v61, v12;
	v13 =	vbroadcast v13, $0x0;
	v20 =	vld [tilespmem:s23+$0xFFFFFF60];
	v17 =	vadd.s32 v8, v17  }
0x27a: {  	v10 =	vadd.s32 v61, v10;
	v14 =	vbroadcast v14, $0x0;
	v15 =	vadd.s32 v6, v15;
	v21 =	vld [tilespmem:s23+$0xFFFFFF80]  }
0x27b: {  	v12 =	vbroadcast v12, $0x0;
	v11 =	vadd.s32 v61, v11;
	v13 =	vadd.s32 v5, v13;
	v22 =	vld [tilespmem:s23+$0xFFFFFFA0]  }
0x27c: {  	v10 =	vbroadcast v10, $0x0;
	v14 =	vadd.s32 v4, v14;
	v23 =	vld [tilespmem:s23+$0xFFFFFFC0];
	v18 =	vadd.f32 v18, v7  }
0x27d: {  	v11 =	vbroadcast v11, $0x0;
	v12 =	vadd.s32 v63, v12;
	v19 =	vadd.f32 v19, v7;
	v24 =	vld [tilespmem:s23+$0xFFFFFFE0]  }
0x27e: {  	v16 =	vbroadcast v16, $0x0;
	v10 =	vadd.s32 v2, v10;
	v25 =	vld [tilespmem:s23+$0xFFFFFF20];
	v20 =	vadd.f32 v20, v7;
	[tilespmem:v17+s15+$0x0] =	vst.idx.msk $0xffff, v18  }
0x27f: {  	v11 =	vadd.s32 v3, v11;
	[tilespmem:v15+s15+$0x0] =	vst.idx.msk $0xffff, v19;
	v15 =	vadd.f32 v21, v7  }
0x280: {  	v16 =	vadd.s32 v9, v16;
	[tilespmem:v13+s15+$0x0] =	vst.idx.msk $0xffff, v20;
	v13 =	vadd.f32 v22, v7  }
0x281: {  	[tilespmem:v14+s15+$0x0] =	vst.idx.msk $0xffff, v15;
	v14 =	vadd.f32 v23, v7  }
0x282: {  	[tilespmem:v12+s15+$0x0] =	vst.idx.msk $0xffff, v13;
	v12 =	vadd.f32 v24, v7  }
0x283: {  	s6 =	sadd.s32 $0x1, s3;
	v13 =	vmov s3;
	v15 =	vadd.f32 v25, v7;
	[tilespmem:v10+s15+$0x0] =	vst.idx.msk $0xffff, v14  }
.Ltmp8:
0x284: {  	s7 =	sadd.s32 $0x2, s3;
	s11 =	sadd.s32 $0x3, s3;
	v10 =	vshrl.u32 v13, $0x3;
	[tilespmem:v11+s15+$0x0] =	vst.idx.msk $0xffff, v12;
	(pc) =	sbr.rel @p1 .LBB2_19-.Ltmp8, $4  }
0x285: {  	v13 =	vmov s7;
	v14 =	vmov s11;
	s7 =	sadd.s32 $0x5, s3;
	s11 =	sadd.s32 $0x6, s3;
	v12 =	vmov s6;
	s6 =	sadd.s32 $0x4, s3;
	[tilespmem:v16+s15+$0x0] =	vst.idx.msk $0xffff, v15  }
0x286: {  	v18 =	vmov s7;
	v11 =	vmov s11;
	v17 =	vmov s6  }
0x287: {  	v13 =	vshrl.u32 v13, $0x3;
	v16 =	vshll.u32 v10, v1;
	v15 =	vshrl.u32 v12, $0x3  }
0x288: {  	v14 =	vshrl.u32 v14, $0x3;
	v10 =	vshrl.u32 v18, $0x3;
	s6 =	sadd.s32 $0x7, s3;
	s3 =	sadd.s32 $0x8, s3;
	v12 =	vshrl.u32 v17, $0x3  }
0x289: {  	v16 =	vadd.s32 v61, v16;
	v17 =	vmov s6;
	v11 =	vshrl.u32 v11, $0x3  }
0x28a: {  	v15 =	vshll.u32 v15, v1;
	v13 =	vshll.u32 v13, v1;
	v14 =	vshll.u32 v14, v1  }
0x28b: {  	v12 =	vshll.u32 v12, v1;
	v10 =	vshll.u32 v10, v1;
	s3 =	sadd.s32 $0x100, s23;
	v17 =	vshrl.u32 v17, $0x3  }
0x28c: {  	v11 =	vshll.u32 v11, v1;
	v15 =	vadd.s32 v61, v15;
	v18 =	vld [tilespmem:s3+$0x0];
	v13 =	vadd.s32 v61, v13  }
0x28d: {  	v19 =	vld [tilespmem:s3+$0xFFFFFF40];
	v14 =	vadd.s32 v61, v14;
	v17 =	vshll.u32 v17, v1;
	v15 =	vbroadcast v15, $0x0  }
0x28e: {  	v20 =	vld [tilespmem:s3+$0xFFFFFF60];
	v12 =	vadd.s32 v61, v12;
	v13 =	vbroadcast v13, $0x0;
	v17 =	vadd.s32 v61, v17  }
0x28f: {  	v10 =	vadd.s32 v61, v10;
	v17 =	vbroadcast v17, $0x0;
	v6 =	vadd.s32 v6, v15  }
0x290: {  	v14 =	vbroadcast v14, $0x0;
	v12 =	vbroadcast v12, $0x0;
	v15 =	vld [tilespmem:s3+$0xFFFFFF80];
	v5 =	vadd.s32 v5, v13  }
0x291: {  	v11 =	vadd.s32 v61, v11;
	v10 =	vbroadcast v10, $0x0;
	v13 =	vld [tilespmem:s3+$0xFFFFFFA0];
	v8 =	vadd.s32 v8, v17  }
0x292: {  	v4 =	vadd.s32 v4, v14;
	v14 =	vld [tilespmem:s3+$0xFFFFFFC0];
	v17 =	vadd.f32 v18, v7;
	v18 =	vadd.f32 v19, v7  }
0x293: {  	v11 =	vbroadcast v11, $0x0;
	v12 =	vadd.s32 v63, v12;
	v19 =	vld [tilespmem:s3+$0xFFFFFFE0];
	v20 =	vadd.f32 v20, v7  }
0x294: {  	v21 =	vld [tilespmem:s3+$0xFFFFFF20];
	v16 =	vbroadcast v16, $0x0;
	v2 =	vadd.s32 v2, v10;
	[tilespmem:v6+s15+$0x0] =	vst.idx.msk $0xffff, v18  }
0x295: {  	v3 =	vadd.s32 v3, v11;
	v6 =	vadd.f32 v15, v7;
	[tilespmem:v5+s15+$0x0] =	vst.idx.msk $0xffff, v20  }
0x296: {  	v5 =	vadd.f32 v13, v7;
	[tilespmem:v8+s15+$0x0] =	vst.idx.msk $0xffff, v17;
	v8 =	vadd.s32 v9, v16  }
0x297: {  	[tilespmem:v4+s15+$0x0] =	vst.idx.msk $0xffff, v6;
	v4 =	vadd.f32 v14, v7  }
0x298: {  	[tilespmem:v12+s15+$0x0] =	vst.idx.msk $0xffff, v5;
	v5 =	vadd.f32 v19, v7  }
0x299: {  	v6 =	vadd.f32 v21, v7;
	[tilespmem:v2+s15+$0x0] =	vst.idx.msk $0xffff, v4  }
0x29a: {  	[tilespmem:v3+s15+$0x0] =	vst.idx.msk $0xffff, v5  }
0x29b: {  	[tilespmem:v8+s15+$0x0] =	vst.idx.msk $0xffff, v6  }
0x29c: {  	v4 =	vld [tilespmem:$0x1FAD0];
	_ =	sdelay $0x3  }
0x29d: {  	v8 =	vadd.s32 $0x4C87, v0  }
0x29e: {  	v10 =	vadd.s32 v8, v4;
	v4 =	vld [tilespmem:$0x1FAE0]  }
0x29f: {  	v2 =	vld [tilespmem:s22+$0x0]  }
0x2a0: {  	v3 =	vld [tilespmem:s22+$0xFFFFFF40]  }
0x2a1: {  	v5 =	vld [tilespmem:s22+$0xFFFFFF60]  }
0x2a2: {  	v9 =	vadd.s32 $0x4C81, v0  }
0x2a3: {  	v11 =	vadd.s32 v9, v4  }
0x2a4: {  	v15 =	vld [tilespmem:$0x1FB00]  }
0x2a5: {  	v17 =	vadd.f32 v2, v62;
	v18 =	vadd.f32 v3, v62;
	v3 =	vld [tilespmem:$0x1FB10]  }
0x2a6: {  	v22 =	vadd.f32 v5, v62;
	v5 =	vld [tilespmem:$0x1FB20]  }
0x2a7: {  	v4 =	vld [tilespmem:$0x1FAF0];
	[tilespmem:v10+s15+$0x0] =	vst.idx.msk $0xffff, v17  }
0x2a8: {  	v12 =	vld [tilespmem:s22+$0xFFFFFF80];
	[tilespmem:v11+s15+$0x0] =	vst.idx.msk $0xffff, v18  }
0x2a9: {  	v11 =	vld [tilespmem:$0x1FB30];
	_ =	sdelay $0x1  }
0x2aa: {  	v7 =	vadd.s32 $0x4C82, v0;
	v6 =	vadd.s32 $0x4C83, v0;
	v14 =	vld [tilespmem:s22+$0xFFFFFFA0]  }
0x2ab: {  	v16 =	vld [tilespmem:s22+$0xFFFFFFC0];
	v15 =	vadd.s32 v6, v15;
	v13 =	vadd.s32 v7, v4;
	v4 =	vadd.s32 $0x4C84, v0  }
0x2ac: {  	v20 =	vld [tilespmem:s22+$0xFFFFFFE0];
	v2 =	vadd.s32 $0x4C85, v0;
	v19 =	vadd.s32 v4, v3;
	v3 =	vadd.s32 $0x4C86, v0  }
0x2ad: {  	v23 =	vadd.s32 v2, v5;
	v10 =	vadd.f32 v12, v62;
	v12 =	vadd.s32 v3, v11;
	v11 =	vld [tilespmem:$0x1FB40];
	_ =	sdelay $0x2  }
0x2ae: {  	[tilespmem:v15+s15+$0x0] =	vst.idx.msk $0xffff, v10;
	v10 =	vadd.f32 v16, v62  }
0x2af: {  	v5 =	vadd.s32 $0x4C80, v0;
	[tilespmem:v13+s15+$0x0] =	vst.idx.msk $0xffff, v22;
	v13 =	vadd.f32 v20, v62  }
0x2b0: {  	v63 =	vld [tilespmem:s22+$0xFFFFFF20];
	[tilespmem:v23+s15+$0x0] =	vst.idx.msk $0xffff, v10;
	v17 =	vadd.s32 v5, v11;
	v11 =	vadd.f32 v14, v62  }
0x2b1: {  	[tilespmem:v12+s15+$0x0] =	vst.idx.msk $0xffff, v13  }
0x2b2: {  	[tilespmem:v19+s15+$0x0] =	vst.idx.msk $0xffff, v11  }
0x2b3: {  	v10 =	vld [tilespmem:$0x1FB50];
	_ =	sdelay $0x1  }
0x2b4: {  	v14 =	vadd.f32 v63, v62;
	_ =	sdelay $0x1  }
0x2b5: {  	[tilespmem:v17+s15+$0x0] =	vst.idx.msk $0xffff, v14  }
0x2b6: {  	v13 =	vshrl.u32 v10, $0x3;
	v10 =	vld [tilespmem:$0x1FB60];
	_ =	sdelay $0x4  }
0x2b7: {  	v12 =	vshrl.u32 v10, $0x3;
	v10 =	vld [tilespmem:$0x1FB70];
	_ =	sdelay $0x3  }
0x2b8: {  	v16 =	vshll.u32 v33, v1;
	v15 =	vshrl.u32 v29, $0x3  }
0x2b9: {  	s3 =	simm.s32 $0xF;
	v11 =	vmov s1;
	s1 =	simm.s32 $0x10;
	v14 =	vshrl.u32 v34, $0x3;
	v10 =	vshrl.u32 v10, $0x3  }
.LBB2_21:
0x2ba: {  	p1 =	slt.u32 s1, $0x78;
	v16 =	vadd.s32 v61, v16;
	v11 =	vshrl.u32 v11, $0x3;
	v17 =	vmov s3  }
0x2bb: {  	v15 =	vshll.u32 v15, v1;
	v13 =	vshll.u32 v13, v1;
	v17 =	vshrl.u32 v17, $0x3  }
0x2bc: {  	v14 =	vshll.u32 v14, v1;
	v12 =	vshll.u32 v12, v1;
	v17 =	vshll.u32 v17, v1  }
0x2bd: {  	v10 =	vshll.u32 v10, v1;
	s22 =	sadd.s32 $0x100, s22;
	v11 =	vshll.u32 v11, v1;
	v17 =	vadd.s32 v61, v17  }
0x2be: {  	v15 =	vadd.s32 v61, v15;
	v13 =	vadd.s32 v61, v13;
	v18 =	vld [tilespmem:s22+$0x0];
	v17 =	vbroadcast v17, $0x0  }
0x2bf: {  	v14 =	vadd.s32 v61, v14;
	v15 =	vbroadcast v15, $0x0;
	v19 =	vld [tilespmem:s22+$0xFFFFFF40]  }
0x2c0: {  	v12 =	vadd.s32 v61, v12;
	v13 =	vbroadcast v13, $0x0;
	v20 =	vld [tilespmem:s22+$0xFFFFFF60];
	v17 =	vadd.s32 v8, v17  }
0x2c1: {  	v10 =	vadd.s32 v61, v10;
	v14 =	vbroadcast v14, $0x0;
	v15 =	vadd.s32 v9, v15;
	v21 =	vld [tilespmem:s22+$0xFFFFFF80]  }
0x2c2: {  	v12 =	vbroadcast v12, $0x0;
	v11 =	vadd.s32 v61, v11;
	v13 =	vadd.s32 v7, v13;
	v22 =	vld [tilespmem:s22+$0xFFFFFFA0]  }
0x2c3: {  	v10 =	vbroadcast v10, $0x0;
	v14 =	vadd.s32 v6, v14;
	v23 =	vld [tilespmem:s22+$0xFFFFFFC0];
	v18 =	vadd.f32 v18, v62  }
0x2c4: {  	v11 =	vbroadcast v11, $0x0;
	v12 =	vadd.s32 v4, v12;
	v19 =	vadd.f32 v19, v62;
	v24 =	vld [tilespmem:s22+$0xFFFFFFE0]  }
0x2c5: {  	v16 =	vbroadcast v16, $0x0;
	v10 =	vadd.s32 v2, v10;
	v25 =	vld [tilespmem:s22+$0xFFFFFF20];
	v20 =	vadd.f32 v20, v62;
	[tilespmem:v17+s15+$0x0] =	vst.idx.msk $0xffff, v18  }
0x2c6: {  	v11 =	vadd.s32 v3, v11;
	[tilespmem:v15+s15+$0x0] =	vst.idx.msk $0xffff, v19;
	v15 =	vadd.f32 v21, v62  }
0x2c7: {  	v16 =	vadd.s32 v5, v16;
	[tilespmem:v13+s15+$0x0] =	vst.idx.msk $0xffff, v20;
	v13 =	vadd.f32 v22, v62  }
0x2c8: {  	[tilespmem:v14+s15+$0x0] =	vst.idx.msk $0xffff, v15;
	v14 =	vadd.f32 v23, v62  }
0x2c9: {  	[tilespmem:v12+s15+$0x0] =	vst.idx.msk $0xffff, v13;
	v12 =	vadd.f32 v24, v62  }
0x2ca: {  	s3 =	sadd.s32 $0x1, s1;
	v13 =	vmov s1;
	v15 =	vadd.f32 v25, v62;
	[tilespmem:v10+s15+$0x0] =	vst.idx.msk $0xffff, v14  }
.Ltmp9:
0x2cb: {  	s6 =	sadd.s32 $0x2, s1;
	s7 =	sadd.s32 $0x3, s1;
	v10 =	vshrl.u32 v13, $0x3;
	[tilespmem:v11+s15+$0x0] =	vst.idx.msk $0xffff, v12;
	(pc) =	sbr.rel @p1 .LBB2_21-.Ltmp9, $4  }
0x2cc: {  	v13 =	vmov s6;
	v14 =	vmov s7;
	s6 =	sadd.s32 $0x5, s1;
	s7 =	sadd.s32 $0x6, s1;
	v12 =	vmov s3;
	s3 =	sadd.s32 $0x4, s1;
	[tilespmem:v16+s15+$0x0] =	vst.idx.msk $0xffff, v15  }
0x2cd: {  	v18 =	vmov s6;
	v11 =	vmov s7;
	v17 =	vmov s3  }
0x2ce: {  	v13 =	vshrl.u32 v13, $0x3;
	v16 =	vshll.u32 v10, v1;
	v15 =	vshrl.u32 v12, $0x3  }
0x2cf: {  	v14 =	vshrl.u32 v14, $0x3;
	v10 =	vshrl.u32 v18, $0x3;
	s3 =	sadd.s32 $0x7, s1;
	s1 =	sadd.s32 $0x8, s1;
	v12 =	vshrl.u32 v17, $0x3  }
0x2d0: {  	v16 =	vadd.s32 v61, v16;
	v17 =	vmov s3  }
0x2d1: {  	v11 =	vshrl.u32 v11, $0x3;
	v15 =	vshll.u32 v15, v1;
	v13 =	vshll.u32 v13, v1;
	s1 =	sadd.s32 $0x100, s22  }
0x2d2: {  	v14 =	vshll.u32 v14, v1;
	v12 =	vshll.u32 v12, v1;
	v10 =	vshll.u32 v10, v1;
	v34 =	vld [tilespmem:s1+$0xFFFFFF80]  }
0x2d3: {  	v17 =	vshrl.u32 v17, $0x3;
	v11 =	vshll.u32 v11, v1;
	v15 =	vadd.s32 v61, v15;
	v35 =	vld [tilespmem:s1+$0xFFFFFFA0]  }
0x2d4: {  	v13 =	vadd.s32 v61, v13;
	v14 =	vadd.s32 v61, v14;
	v12 =	vadd.s32 v61, v12;
	v63 =	vld [tilespmem:s1+$0xFFFFFFC0]  }
0x2d5: {  	v10 =	vadd.s32 v61, v10;
	v31 =	vld [tilespmem:s1+$0xFFFFFF20];
	v16 =	vbroadcast v16, $0x0;
	v15 =	vbroadcast v15, $0x0  }
0x2d6: {  	v19 =	vld [tilespmem:s1+$0xFFFFFF40];
	v17 =	vshll.u32 v17, v1;
	v13 =	vbroadcast v13, $0x0;
	v14 =	vbroadcast v14, $0x0  }
0x2d7: {  	v20 =	vld [tilespmem:s1+$0xFFFFFF60];
	v12 =	vbroadcast v12, $0x0;
	v11 =	vadd.s32 v61, v11;
	v5 =	vadd.s32 v5, v16  }
0x2d8: {  	v10 =	vbroadcast v10, $0x0;
	v17 =	vadd.s32 v61, v17;
	v9 =	vadd.s32 v9, v15  }
0x2d9: {  	v7 =	vadd.s32 v7, v13;
	v33 =	vadd.f32 v34, v62;
	v34 =	vadd.f32 v35, v62  }
0x2da: {  	v6 =	vadd.s32 v6, v14;
	v35 =	vadd.f32 v63, v62;
	v63 =	vadd.f32 v31, v62  }
0x2db: {  	v30 =	vld [tilespmem:s1+$0xFFFFFFE0];
	v11 =	vbroadcast v11, $0x0;
	v4 =	vadd.s32 v4, v12;
	v29 =	vadd.f32 v19, v62  }
0x2dc: {  	v18 =	vld [tilespmem:s1+$0x0];
	v17 =	vbroadcast v17, $0x0;
	v2 =	vadd.s32 v2, v10;
	v20 =	vadd.f32 v20, v62;
	[tilespmem:v5+s15+$0x0] =	vst.idx.msk $0xffff, v63  }
0x2dd: {  	v3 =	vadd.s32 v3, v11;
	[tilespmem:v9+s15+$0x0] =	vst.idx.msk $0xffff, v29  }
0x2de: {  	v8 =	vadd.s32 v8, v17;
	[tilespmem:v7+s15+$0x0] =	vst.idx.msk $0xffff, v20  }
0x2df: {  	s13 =	smul.u32 $0xA0000, s19;
	[tilespmem:v6+s15+$0x0] =	vst.idx.msk $0xffff, v33  }
0x2e0: {  	v61 =	vadd.f32 v30, v62;
	[tilespmem:v4+s15+$0x0] =	vst.idx.msk $0xffff, v34  }
0x2e1: {  	s1 =	sor.u32 s9, s13;
	v28 =	vadd.f32 v18, v62;
	[tilespmem:v2+s15+$0x0] =	vst.idx.msk $0xffff, v35  }
0x2e2: {  	s14 =	sshrl.u32 s1, $0x3;
	[tilespmem:v3+s15+$0x0] =	vst.idx.msk $0xffff, v61  }
0x2e3: {  	s6 =	sadd.s32 $0x0, s21;
	s1 =	sadd.s32 $0x3, s20;
	s3 =	sadd.s32 s2, s14;
	[tilespmem:v8+s15+$0x0] =	vst.idx.msk $0xffff, v28  }
0x2e4: {  	[hbm4b:s3+s4] =	stream.linear.scatter [tilespmem:s6], [sflag:s1], $0x80, $0x38;
	[tilespmem:$0x16800] =	vst v63  }
0x2e5: {  	s7 =	sadd.s32 $0x88, s6;
	s11 =	sadd.s32 $0x10, s3  }
0x2e6: {  	[hbm4b:s11+s4] =	stream.linear.scatter [tilespmem:s7], [sflag:s1], $0x80, $0x38;
	[tilespmem:$0x16800] =	vst v63  }
0x2e7: {  	s23 =	sadd.s32 $0x198, s6;
	s20 =	sadd.s32 $0x110, s6;
	s22 =	sadd.s32 $0x20, s3  }
0x2e8: {  	[hbm4b:s22+s4] =	stream.linear.scatter [tilespmem:s20], [sflag:s1], $0x80, $0x38;
	[tilespmem:$0x16800] =	vst v63  }
0x2e9: {  	s25 =	sadd.s32 $0x220, s6;
	s28 =	sadd.s32 $0x2A8, s6;
	s24 =	sadd.s32 $0x30, s3  }
0x2ea: {  	[hbm4b:s24+s4] =	stream.linear.scatter [tilespmem:s23], [sflag:s1], $0x80, $0x38;
	[tilespmem:$0x16800] =	vst v63  }
0x2eb: {  	s30 =	sadd.s32 $0x330, s6;
	s13 =	simm.s32 $0x2200;
	s26 =	sadd.s32 $0x40, s3  }
0x2ec: {  	[hbm4b:s26+s4] =	stream.linear.scatter [tilespmem:s25], [sflag:s1], $0x80, $0x38;
	[tilespmem:$0x16800] =	vst v63  }
0x2ed: {  	s29 =	sadd.s32 $0x50, s3;
	s31 =	sadd.s32 $0x60, s3;
	s14 =	sadd.s32 $0x70, s3  }
0x2ee: {  	[hbm4b:s29+s4] =	stream.linear.scatter [tilespmem:s28], [sflag:s1], $0x80, $0x38;
	[tilespmem:$0x16800] =	vst v63  }
0x2ef: {  	s6 =	sadd.s32 $0x3B8, s6;
	s3 =	sadd.s32 $0x1000, s3;
	s11 =	simm.s32 $0x440  }
0x2f0: {  	[hbm4b:s31+s4] =	stream.linear.scatter [tilespmem:s30], [sflag:s1], $0x80, $0x38;
	[tilespmem:$0x16800] =	vst v63  }
.LBB2_23:
0x2f1: {  	[hbm4b:s14+s4] =	stream.linear.scatter [tilespmem:s6], [sflag:s1], $0x80, $0x38;
	[tilespmem:$0x16800] =	vst v63  }
0x2f2: {  	s6 =	smov.u32 s13  }
0x2f3: {  	s7 =	sadd.s32 $0x1100, s13;
	s14 =	sadd.s32 s11, s21;
	s11 =	sshra.s32 s6, $0x2  }
0x2f4: {  	[hbm4b:s3+s4] =	stream.linear.scatter [tilespmem:s14], [sflag:s1], $0x80, $0x38;
	[tilespmem:$0x16800] =	vst v63  }
0x2f5: {  	p1 =	sne.s32 s13, $0x14300;
	s13 =	sadd.s32 $0x10, s3;
	s6 =	sadd.s32 $0x88, s14  }
0x2f6: {  	[hbm4b:s13+s4] =	stream.linear.scatter [tilespmem:s6], [sflag:s1], $0x80, $0x38;
	[tilespmem:$0x16800] =	vst v63  }
0x2f7: {  	s6 =	sadd.s32 $0x110, s14;
	s13 =	sadd.s32 $0x20, s3  }
0x2f8: {  	[hbm4b:s13+s4] =	stream.linear.scatter [tilespmem:s6], [sflag:s1], $0x80, $0x38;
	[tilespmem:$0x16800] =	vst v63  }
0x2f9: {  	s6 =	sadd.s32 $0x198, s14;
	s13 =	sadd.s32 $0x30, s3  }
0x2fa: {  	[hbm4b:s13+s4] =	stream.linear.scatter [tilespmem:s6], [sflag:s1], $0x80, $0x38;
	[tilespmem:$0x16800] =	vst v63  }
0x2fb: {  	s6 =	sadd.s32 $0x220, s14;
	s13 =	sadd.s32 $0x40, s3  }
0x2fc: {  	[hbm4b:s13+s4] =	stream.linear.scatter [tilespmem:s6], [sflag:s1], $0x80, $0x38;
	[tilespmem:$0x16800] =	vst v63  }
0x2fd: {  	s6 =	sadd.s32 $0x2A8, s14;
	s13 =	sadd.s32 $0x50, s3  }
0x2fe: {  	[hbm4b:s13+s4] =	stream.linear.scatter [tilespmem:s6], [sflag:s1], $0x80, $0x38;
	[tilespmem:$0x16800] =	vst v63  }
.Ltmp10:
0x2ff: {  	_ = 	snop;
	(pc) =	sbr.rel @p1 .LBB2_23-.Ltmp10, $4  }
0x300: {  	s6 =	sadd.s32 $0x330, s14;
	s13 =	sadd.s32 $0x60, s3  }
0x301: {  	[hbm4b:s13+s4] =	stream.linear.scatter [tilespmem:s6], [sflag:s1], $0x80, $0x38;
	[tilespmem:$0x16800] =	vst v63  }
0x302: {  	s6 =	sadd.s32 $0x3B8, s14  }
0x303: {  	s14 =	sadd.s32 $0x70, s3;
	s3 =	sadd.s32 $0x1000, s3;
	s13 =	smov.u32 s7  }
0x304: {  	[hbm4b:s14+s4] =	stream.linear.scatter [tilespmem:s6], [sflag:s1], $0x80, $0x38;
	[tilespmem:$0x16800] =	vst v63  }
0x305: {  	s13 =	sadd.s32 s11, s21  }
0x306: {  	[hbm4b:s3+s4] =	stream.linear.scatter [tilespmem:s13], [sflag:s1], $0x80, $0x38;
	[tilespmem:$0x16800] =	vst v63  }
0x307: {  	s14 =	sadd.s32 $0x10, s3;
	s7 =	sadd.s32 $0x88, s13  }
0x308: {  	[hbm4b:s14+s4] =	stream.linear.scatter [tilespmem:s7], [sflag:s1], $0x80, $0x38;
	[tilespmem:$0x16800] =	vst v63  }
0x309: {  	s21 =	sadd.s32 $0x20, s3;
	s20 =	sadd.s32 $0x110, s13  }
0x30a: {  	[hbm4b:s21+s4] =	stream.linear.scatter [tilespmem:s20], [sflag:s1], $0x80, $0x38;
	[tilespmem:$0x16800] =	vst v63  }
0x30b: {  	s23 =	sadd.s32 $0x30, s3;
	s22 =	sadd.s32 $0x198, s13  }
0x30c: {  	[hbm4b:s23+s4] =	stream.linear.scatter [tilespmem:s22], [sflag:s1], $0x80, $0x38;
	[tilespmem:$0x16800] =	vst v63  }
0x30d: {  	s25 =	sadd.s32 $0x40, s3;
	s19 =	sadd.s32 $0x1, s19;
	s24 =	sadd.s32 $0x220, s13  }
0x30e: {  	[hbm4b:s25+s4] =	stream.linear.scatter [tilespmem:s24], [sflag:s1], $0x80, $0x38;
	[tilespmem:$0x16800] =	vst v63  }
0x30f: {  	s28 =	sadd.s32 $0x50, s3;
	v19 =	vld [tilespmem:$0x1FEA0];
	s26 =	sadd.s32 $0x2A8, s13;
	p1 =	sne.s32 s19, $0x28  }
0x310: {  	v20 =	vld [tilespmem:$0x1FEB0];
	[hbm4b:s28+s4] =	stream.linear.scatter [tilespmem:s26], [sflag:s1], $0x80, $0x38  }
.Ltmp11:
0x311: {  	v21 =	vld [tilespmem:$0x1FEC0];
	(pc) =	sbr.rel @p1 .LBB2_2-.Ltmp11, $4  }
0x312: {  	s30 =	sadd.s32 $0x60, s3;
	v22 =	vld [tilespmem:$0x1FED0];
	s29 =	sadd.s32 $0x330, s13  }
0x313: {  	v23 =	vld [tilespmem:$0x1FEE0];
	[hbm4b:s30+s4] =	stream.linear.scatter [tilespmem:s29], [sflag:s1], $0x80, $0x38  }
0x314: {  	s31 =	sadd.s32 $0x70, s3;
	p0 =	por !p0, !p0;
	v24 =	vld [tilespmem:$0x1FEF0];
	s6 =	sadd.s32 $0x3B8, s13  }
0x315: {  	v25 =	vld [tilespmem:$0x1FF00];
	[hbm4b:s31+s4] =	stream.linear.scatter [tilespmem:s6], [sflag:s1], $0x80, $0x38  }
0x316: {  	s18 =	sadd.s32 $0x1, s18  }
0x317: {  	_ =	swait.ge [sflag:s16], $0x5000;
	p0 =	sne.s32 s18, s10  }
.Ltmp12:
0x318: {  	[sflag:s16] =	ssyncset.done $0x0;
	(pc) =	sbr.rel @p0 .LBB2_1-.Ltmp12, $4  }
0x319: {  	[sflag:s16] =	ssyncadd.s32 $0xFFFFB000  }
0x31a: {  	_ =	swait.ge [sflag:s17], $0x5000  }
0x31b: {  	[sflag:s17] =	ssyncset.done $0x0  }
0x31c: {  	[sflag:s17] =	ssyncadd.s32 $0xFFFFB000  }
0x31d: {  	_ =	sfence.sel $0x180000  }
0x31e: {  	[bflag:$0x0] =	sbarrier.arrive $0xFFFF  }
0x31f: {  	_ =	strace $0x90000047  }
0x320: {  	s0 =	stileid.u32;
	[bflag:$0x2] =	sbarrier.arrive $0xFFFF  }
0x321: {  	p0 =	sne.s32 s0, $0x0;
	s0 =	rddreg [dreg:$0x3]  }
0x322: {  	s0 =	sadd.s32 @!p0 $0x100000, s0  }
0x323: {  	[sflag:s0] =	ssyncadd.tile.s32 @!p0 $0x1;
	_ =	shalt  }
.Lfunc_end2:
_tile_overlayer_lowered:
.L_overlay_start_2:
0x324: {  	(tag) =	ssettag $0x2  }
0x325: {  	s0 =	rddreg [dreg:$0x0];
	s2 =	stileid.u32  }
0x326: {  	s1 =	rddreg [dreg:$0x1];
	p0 =	sne.s32 s2, $0x0  }
0x327: {  	s3 =	rddreg [dreg:$0x2];
	[bflag:$0x3] =	sbarrier.arrive $0xFFFF;
	s2 =	simm.s32 @!p0 $0x1C05  }
0x328: {  	[timem:s3], [sflag:s2] =	dma.local @!p0 [hbm:s0], s1  }
0x329: {  	s0 =	simm.s32 @!p0 $0x5  }
0x32a: {  	_ =	swait.ge @!p0 [sflag:s0], s1  }
0x32b: {  	s1 =	ssub.s32 @!p0 $0x0, s1;
	[sflag:s0] =	ssyncset.done @!p0 $0x0  }
0x32c: {  	[sflag:s0] =	ssyncadd.s32 @!p0 s1  }
0x32d: {  	[bflag:$0x3] =	sbarrier.arrive $0xFFFF  }
0x32e: {  	_ =	shalt  }

</sc_bundles>
